<compile_context>
chip_gen: v7x
topology: tpu7x:2x2x1
jax: 0.10.2.dev20260603
libtpu: 0.0.44.dev20260713+nightly
codegen_flags: <defaults>
</compile_context>

<pallas_src>
import functools

import jax
import jax.numpy as jnp
from jax.experimental import pallas as pl
from jax.experimental.pallas import tpu as pltpu
from jax.experimental.pallas import tpu_sc as plsc

H = 2048
H2 = 1024
NT = 55

_GATHER_WINDOW = 16
_TOK_BLOCK = 512
_CHUNKS = (4096, 12288)


def _sc_gather(table, ids):
    n = ids.shape[0]
    info = plsc.get_sparse_core_info()
    nw = info.num_cores * info.num_subcores
    per_w = n // nw
    c = _GATHER_WINDOW
    mesh = plsc.VectorSubcoreMesh(core_axis_name="c", subcore_axis_name="s")

    @functools.partial(
        pl.kernel,
        out_type=jax.ShapeDtypeStruct((n, H), jnp.float32),
        mesh=mesh,
        scratch_types=[
            pltpu.VMEM((per_w,), jnp.int32),
            pltpu.VMEM((c, H), jnp.float32),
            pltpu.SemaphoreType.DMA,
        ],
    )
    def gather_kernel(table_hbm, ids_hbm, out_hbm, idx_v, rows_v, sem):
        wid = jax.lax.axis_index("s") * info.num_cores + jax.lax.axis_index("c")
        base = wid * per_w
        pltpu.sync_copy(ids_hbm.at[pl.ds(base, per_w)], idx_v)

        @pl.loop(0, per_w, step=c)
        def _(i):
            pltpu.async_copy(
                table_hbm.at[idx_v.at[pl.ds(i, c)]], rows_v, sem).wait()
            pltpu.sync_copy(rows_v, out_hbm.at[pl.ds(base + i, c)])

    return gather_kernel(table, ids)


def _mlp_body(tok_ref, w1_ref, b1_ref, w2_ref, b2_ref, lng_ref, lnb_ref,
              wh1_ref, bh1_ref, wh2_ref, bh2_ref, comb_ref, log_ref,
              tokb_s, gb_s, lnb_s, rb_s):
    tok = tok_ref[...]
    tokb_s[...] = tok.astype(jnp.bfloat16)
    h1 = jnp.dot(tokb_s[...], w1_ref[...],
                 preferred_element_type=jnp.float32) + b1_ref[...]
    g = 0.5 * h1 * (1.0 + jax.lax.erf(h1 * 0.7071067811865476))
    gb_s[...] = g.astype(jnp.bfloat16)
    h = jnp.dot(gb_s[...], w2_ref[...],
                preferred_element_type=jnp.float32) + b2_ref[...]
    comb = tok + h
    comb_ref[...] = comb
    mu = jnp.mean(comb, axis=-1, keepdims=True)
    var = jnp.mean(comb * comb, axis=-1, keepdims=True) - mu * mu
    ln = (comb - mu) * jax.lax.rsqrt(var + 1e-5) * lng_ref[...] + lnb_ref[...]
    lnb_s[...] = ln.astype(jnp.bfloat16)
    a = jnp.dot(lnb_s[...], wh1_ref[...],
                preferred_element_type=jnp.float32) + bh1_ref[...]
    rb_s[...] = jnp.maximum(a, 0.0).astype(jnp.bfloat16)
    log_ref[...] = jnp.dot(rb_s[...], wh2_ref[...],
                           preferred_element_type=jnp.float32) + bh2_ref[...]


def _cast_weights(W1, W2, Wh1):
    r = 256

    def body(w1_ref, w2_ref, wh1_ref, o1_ref, o2_ref, o3_ref):
        o1_ref[...] = w1_ref[...].astype(jnp.bfloat16)
        o2_ref[...] = w2_ref[...].astype(jnp.bfloat16)
        o3_ref[...] = wh1_ref[...].astype(jnp.bfloat16)

    return pl.pallas_call(
        body,
        grid=(H // r,),
        in_specs=[
            pl.BlockSpec((r, H), lambda i: (i, 0)),
            pl.BlockSpec((r, H), lambda i: (i, 0)),
            pl.BlockSpec((r, H2), lambda i: (i, 0)),
        ],
        out_specs=[
            pl.BlockSpec((r, H), lambda i: (i, 0)),
            pl.BlockSpec((r, H), lambda i: (i, 0)),
            pl.BlockSpec((r, H2), lambda i: (i, 0)),
        ],
        out_shape=[
            jax.ShapeDtypeStruct((H, H), jnp.bfloat16),
            jax.ShapeDtypeStruct((H, H), jnp.bfloat16),
            jax.ShapeDtypeStruct((H, H2), jnp.bfloat16),
        ],
    )(W1, W2, Wh1)


def _tc_mlp_chunk(tok_chunk, n_total, blk_off, weights, carry, interpret=False):
    t = _TOK_BLOCK
    g = tok_chunk.shape[0] // t
    full = lambda shape: pl.BlockSpec(shape, lambda i: (0, 0))
    in_specs = [
        pl.BlockSpec((t, H), lambda i: (i, 0)),
        full((H, H)), full((1, H)),
        full((H, H)), full((1, H)),
        full((1, H)), full((1, H)),
        full((H, H2)), full((1, H2)),
        full((H2, NT)), full((1, NT)),
    ]
    args = [tok_chunk] + list(weights)
    aliases = {}
    if carry is not None:
        in_specs += [pl.BlockSpec(memory_space=pl.ANY),
                     pl.BlockSpec(memory_space=pl.ANY)]
        args += [carry[0], carry[1]]
        aliases = {11: 0, 12: 1}

    def body(*refs):
        _mlp_body(*refs[:11], *refs[-6:])

    return pl.pallas_call(
        body,
        grid=(g,),
        in_specs=in_specs,
        scratch_shapes=[
            pltpu.VMEM((t, H), jnp.bfloat16),
            pltpu.VMEM((t, H), jnp.bfloat16),
            pltpu.VMEM((t, H), jnp.bfloat16),
            pltpu.VMEM((t, H2), jnp.bfloat16),
        ],
        out_specs=[
            pl.BlockSpec((t, H), lambda i: (blk_off + i, 0)),
            pl.BlockSpec((t, NT), lambda i: (blk_off + i, 0)),
        ],
        out_shape=[
            jax.ShapeDtypeStruct((n_total, H), jnp.float32),
            jax.ShapeDtypeStruct((n_total, NT), jnp.float32),
        ],
        input_output_aliases=aliases,
        interpret=interpret,
    )(*args)


def kernel(input_ids, table, W1, b1, W2, b2, ln_g, ln_b, Wh1, bh1, Wh2, bh2):
    b, s = input_ids.shape
    n = b * s
    ids = input_ids.reshape(-1).astype(jnp.int32)
    W1b, W2b, Wh1b = _cast_weights(W1, W2, Wh1)
    weights = (W1b, b1.reshape(1, H),
               W2b, b2.reshape(1, H),
               ln_g.reshape(1, H), ln_b.reshape(1, H),
               Wh1b, bh1.reshape(1, H2),
               Wh2.astype(jnp.bfloat16), bh2.reshape(1, NT))
    offs = [0]
    for c in _CHUNKS:
        offs.append(offs[-1] + c)
    toks = [_sc_gather(table, jax.lax.dynamic_slice_in_dim(ids, offs[k], c))
            for k, c in enumerate(_CHUNKS)]
    carry = None
    for k in range(len(_CHUNKS)):
        carry = _tc_mlp_chunk(toks[k], n, offs[k] // _TOK_BLOCK,
                              weights, carry)
    comb, logits = carry
    return comb.reshape(b, s, H), logits.reshape(b, s, NT)

# --- scband reference (transcript-rebuilt; emitter-appended) ---
"""Pipeline reference for scband-mean-pooled-span-embedding-layer-87316685128607 (READ-ONLY COPY).

The authoritative reference and input builder live on the scoring server;
editing this copy changes nothing except your own understanding.
"""

import jax, jax.numpy as jnp
import numpy as np

VOCAB = 151936
H = 2048
NT = 55
B, S = 4, 4096


def layernorm(x, g, b):
    mu = x.mean(-1, keepdims=True)
    var = ((x - mu) ** 2).mean(-1, keepdims=True)
    return (x - mu) / jnp.sqrt(var + 1e-5) * g + b


def setup_inputs(seed: int = 0) -> dict:
    key = jax.random.key(seed)
    ks = jax.random.split(key, 8)
    input_ids = jax.random.randint(ks[0], (B, S), 0, VOCAB)
    table = jax.random.normal(ks[1], (VOCAB, H), dtype=jnp.float32) * 0.02
    table = table.at[0].set(0.0)  # padding_idx=0
    W1 = jax.random.normal(ks[2], (H, H), dtype=jnp.float32) * 0.02
    b1 = jnp.zeros((H,), jnp.float32)
    W2 = jax.random.normal(ks[3], (H, H), dtype=jnp.float32) * 0.02
    b2 = jnp.zeros((H,), jnp.float32)
    ln_g = jnp.ones((H,), jnp.float32)
    ln_b = jnp.zeros((H,), jnp.float32)
    Wh1 = jax.random.normal(ks[4], (H, H // 2), dtype=jnp.float32) * 0.02
    bh1 = jnp.zeros((H // 2,), jnp.float32)
    Wh2 = jax.random.normal(ks[5], (H // 2, NT), dtype=jnp.float32) * 0.02
    bh2 = jnp.zeros((NT,), jnp.float32)
    return {"input_ids": input_ids, "table": table, "W1": W1, "b1": b1,
            "W2": W2, "b2": b2, "ln_g": ln_g, "ln_b": ln_b,
            "Wh1": Wh1, "bh1": bh1, "Wh2": Wh2, "bh2": bh2}


def reference(input_ids, table, W1, b1, W2, b2, ln_g, ln_b, Wh1, bh1, Wh2, bh2):
    # span_metadata=None path (eval mode, dropout = identity)
    tok_frozen = jnp.take(table, input_ids, axis=0)            # [B,S,H] gather
    h = jax.nn.gelu(tok_frozen @ W1 + b1, approximate=False) @ W2 + b2
    token_emb = tok_frozen + h                                 # token adapter residual
    combined_emb = token_emb                                   # dropout (eval) = identity
    logits_input = layernorm(combined_emb, ln_g, ln_b)
    span_type_logits = jax.nn.relu(logits_input @ Wh1 + bh1) @ Wh2 + bh2
    return (combined_emb, span_type_logits)

if __name__ == "__main__":
    import jax
    _d = setup_inputs()
    print(jax.jit(kernel)(*tuple(_d.values())))

</pallas_src>

<mosaic_0001>
#map = affine_map<(d0, d1) -> (0, 0)>
#map1 = affine_map<(d0, d1) -> (0)>
module attributes {stable_mosaic.version = 14 : i64} {
  func.func @gather_kernel(%arg0: i32, %arg1: i32, %arg2: memref<151936x2048xf32, #tpu.memory_space<hbm>>, %arg3: memref<12288xi32, #tpu.memory_space<hbm>>, %arg4: memref<12288x2048xf32, #tpu.memory_space<hbm>>, %arg5: memref<384xi32, #tpu.memory_space<vmem>>, %arg6: memref<16x2048xf32, #tpu.memory_space<vmem>>, %arg7: memref<!tpu.dma_semaphore, #tpu.memory_space<semaphore_mem>>) attributes {dimension_semantics = [#tpu.dimension_semantics<core_parallel>, #tpu.dimension_semantics<subcore_parallel>], iteration_bounds = array<i64: 2, 16>, scalar_prefetch = 0 : i64, scratch_operands = 3 : i64, tpu.core_type = #tpu.core_type<sc_vector_subcore>, window_params = [{transform_indices = #map}, {transform_indices = #map1}, {transform_indices = #map}]} {
    %mul3A = arith.constant 2 : i32
    %mul3A_0 = arith.muli %arg1, %mul3A : i32
    %add3A = arith.addi %mul3A_0, %arg0 : i32
    %mul3A_1 = arith.constant 384 : i32
    %mul3A_2 = arith.muli %add3A, %mul3A_1 : i32
    "tpu.region"() ({
      %run_scoped3A = tpu.sem_alloc : memref<!tpu.dma_semaphore, #tpu.memory_space<semaphore_mem>>
      %dma_start3A = tpu.memref_slice %arg3[%mul3A_2] : memref<12288xi32, #tpu.memory_space<hbm>> -> memref<384xi32, #tpu.memory_space<hbm>>
      %dma_start3A_7 = tpu.memref_slice %arg3[%mul3A_2] : memref<12288xi32, #tpu.memory_space<hbm>> -> memref<384xi32, #tpu.memory_space<hbm>>
      tpu.enqueue_dma source(%dma_start3A_7 : memref<384xi32, #tpu.memory_space<hbm>>) target(%arg5 : memref<384xi32, #tpu.memory_space<vmem>>) target_semaphore(%run_scoped3A : memref<!tpu.dma_semaphore, #tpu.memory_space<semaphore_mem>>)
      %dma_wait3A = tpu.memref_slice %arg3[%mul3A_2] : memref<12288xi32, #tpu.memory_space<hbm>> -> memref<384xi32, #tpu.memory_space<hbm>>
      %dma_wait3A_8 = tpu.memref_slice %arg3[%mul3A_2] : memref<12288xi32, #tpu.memory_space<hbm>> -> memref<384xi32, #tpu.memory_space<hbm>>
      tpu.wait_dma2 semaphore(%run_scoped3A : memref<!tpu.dma_semaphore, #tpu.memory_space<semaphore_mem>>) src(%dma_wait3A_8 : memref<384xi32, #tpu.memory_space<hbm>>) dst(%arg5 : memref<384xi32, #tpu.memory_space<vmem>>)
      tpu.yield
    }) : () -> ()
    %scan3A = arith.constant 0 : i32
    %scan3A_3 = arith.constant 24 : i32
    %scan3A_4 = arith.addi %scan3A, %scan3A_3 : i32
    %scan3A_5 = arith.constant 1 : i32
    scf.for %scan3A_7 = %scan3A to %scan3A_4 step %scan3A_5  : i32 {
      %mul3A_8 = arith.constant 16 : i32
      %mul3A_9 = arith.muli %scan3A_7, %mul3A_8 : i32
      %add3A_10 = arith.constant 0 : i32
      %add3A_11 = arith.addi %add3A_10, %mul3A_9 : i32
      %dma_start3A = tpu.memref_slice %arg5[%add3A_11] : memref<384xi32, #tpu.memory_space<vmem>> -> memref<16xi32, #tpu.memory_space<vmem>>
      %dma_start3A_12 = arith.constant 0 : i32
      %dma_start3A_13 = arith.constant 0 : i32
      %dma_start3A_14 = tpu.memref_slice %arg2[%dma_start3A_12, %dma_start3A_13] : memref<151936x2048xf32, #tpu.memory_space<hbm>> -> memref<151936x2048xf32, #tpu.memory_space<hbm>>
      tpu.enqueue_indirect_dma source(%dma_start3A_14 : memref<151936x2048xf32, #tpu.memory_space<hbm>>) target(%arg6 : memref<16x2048xf32, #tpu.memory_space<vmem>>) offsets(%dma_start3A : memref<16xi32, #tpu.memory_space<vmem>>) semaphore(%arg7 : memref<!tpu.dma_semaphore, #tpu.memory_space<semaphore_mem>>)
      %dma_wait3A = tpu.memref_slice %arg5[%add3A_11] : memref<384xi32, #tpu.memory_space<vmem>> -> memref<16xi32, #tpu.memory_space<vmem>>
      %dma_wait3A_15 = arith.constant 0 : i32
      %dma_wait3A_16 = arith.constant 0 : i32
      %dma_wait3A_17 = tpu.memref_slice %arg2[%dma_wait3A_15, %dma_wait3A_16] : memref<151936x2048xf32, #tpu.memory_space<hbm>> -> memref<151936x2048xf32, #tpu.memory_space<hbm>>
      tpu.wait_indirect_dma semaphore(%arg7 : memref<!tpu.dma_semaphore, #tpu.memory_space<semaphore_mem>>) src(%dma_wait3A_17 : memref<151936x2048xf32, #tpu.memory_space<hbm>>) dst(%arg6 : memref<16x2048xf32, #tpu.memory_space<vmem>>)
      %add3A_18 = arith.addi %mul3A_2, %add3A_11 : i32
      "tpu.region"() ({
        %run_scoped3A = tpu.sem_alloc : memref<!tpu.dma_semaphore, #tpu.memory_space<semaphore_mem>>
        %dma_start3A_19 = arith.constant 0 : i32
        %dma_start3A_20 = tpu.memref_slice %arg4[%add3A_18, %dma_start3A_19] : memref<12288x2048xf32, #tpu.memory_space<hbm>> -> memref<16x2048xf32, #tpu.memory_space<hbm>>
        %dma_start3A_21 = arith.constant 0 : i32
        %dma_start3A_22 = tpu.memref_slice %arg4[%add3A_18, %dma_start3A_21] : memref<12288x2048xf32, #tpu.memory_space<hbm>> -> memref<16x2048xf32, #tpu.memory_space<hbm>>
        tpu.enqueue_dma source(%arg6 : memref<16x2048xf32, #tpu.memory_space<vmem>>) target(%dma_start3A_22 : memref<16x2048xf32, #tpu.memory_space<hbm>>) target_semaphore(%run_scoped3A : memref<!tpu.dma_semaphore, #tpu.memory_space<semaphore_mem>>)
        %dma_wait3A_23 = arith.constant 0 : i32
        %dma_wait3A_24 = tpu.memref_slice %arg4[%add3A_18, %dma_wait3A_23] : memref<12288x2048xf32, #tpu.memory_space<hbm>> -> memref<16x2048xf32, #tpu.memory_space<hbm>>
        %dma_wait3A_25 = arith.constant 0 : i32
        %dma_wait3A_26 = tpu.memref_slice %arg4[%add3A_18, %dma_wait3A_25] : memref<12288x2048xf32, #tpu.memory_space<hbm>> -> memref<16x2048xf32, #tpu.memory_space<hbm>>
        tpu.wait_dma2 semaphore(%run_scoped3A : memref<!tpu.dma_semaphore, #tpu.memory_space<semaphore_mem>>) src(%arg6 : memref<16x2048xf32, #tpu.memory_space<vmem>>) dst(%dma_wait3A_26 : memref<16x2048xf32, #tpu.memory_space<hbm>>)
        tpu.yield
      }) : () -> ()
    }
    %scan3A_6 = arith.constant 24 : i32
    return
  }
}

#map = affine_map<(d0, d1) -> (0, 0)>
#map1 = affine_map<(d0, d1) -> (0)>
module attributes {stable_mosaic.version = 14 : i64} {
  func.func @gather_kernel(%arg0: i32, %arg1: i32, %arg2: memref<151936x2048xf32, #tpu.memory_space<hbm>>, %arg3: memref<4096xi32, #tpu.memory_space<hbm>>, %arg4: memref<4096x2048xf32, #tpu.memory_space<hbm>>, %arg5: memref<128xi32, #tpu.memory_space<vmem>>, %arg6: memref<16x2048xf32, #tpu.memory_space<vmem>>, %arg7: memref<!tpu.dma_semaphore, #tpu.memory_space<semaphore_mem>>) attributes {dimension_semantics = [#tpu.dimension_semantics<core_parallel>, #tpu.dimension_semantics<subcore_parallel>], iteration_bounds = array<i64: 2, 16>, scalar_prefetch = 0 : i64, scratch_operands = 3 : i64, tpu.core_type = #tpu.core_type<sc_vector_subcore>, window_params = [{transform_indices = #map}, {transform_indices = #map1}, {transform_indices = #map}]} {
    %mul3A = arith.constant 2 : i32
    %mul3A_0 = arith.muli %arg1, %mul3A : i32
    %add3A = arith.addi %mul3A_0, %arg0 : i32
    %mul3A_1 = arith.constant 128 : i32
    %mul3A_2 = arith.muli %add3A, %mul3A_1 : i32
    "tpu.region"() ({
      %run_scoped3A = tpu.sem_alloc : memref<!tpu.dma_semaphore, #tpu.memory_space<semaphore_mem>>
      %dma_start3A = tpu.memref_slice %arg3[%mul3A_2] : memref<4096xi32, #tpu.memory_space<hbm>> -> memref<128xi32, #tpu.memory_space<hbm>>
      %dma_start3A_7 = tpu.memref_slice %arg3[%mul3A_2] : memref<4096xi32, #tpu.memory_space<hbm>> -> memref<128xi32, #tpu.memory_space<hbm>>
      tpu.enqueue_dma source(%dma_start3A_7 : memref<128xi32, #tpu.memory_space<hbm>>) target(%arg5 : memref<128xi32, #tpu.memory_space<vmem>>) target_semaphore(%run_scoped3A : memref<!tpu.dma_semaphore, #tpu.memory_space<semaphore_mem>>)
      %dma_wait3A = tpu.memref_slice %arg3[%mul3A_2] : memref<4096xi32, #tpu.memory_space<hbm>> -> memref<128xi32, #tpu.memory_space<hbm>>
      %dma_wait3A_8 = tpu.memref_slice %arg3[%mul3A_2] : memref<4096xi32, #tpu.memory_space<hbm>> -> memref<128xi32, #tpu.memory_space<hbm>>
      tpu.wait_dma2 semaphore(%run_scoped3A : memref<!tpu.dma_semaphore, #tpu.memory_space<semaphore_mem>>) src(%dma_wait3A_8 : memref<128xi32, #tpu.memory_space<hbm>>) dst(%arg5 : memref<128xi32, #tpu.memory_space<vmem>>)
      tpu.yield
    }) : () -> ()
    %scan3A = arith.constant 0 : i32
    %scan3A_3 = arith.constant 8 : i32
    %scan3A_4 = arith.addi %scan3A, %scan3A_3 : i32
    %scan3A_5 = arith.constant 1 : i32
    scf.for %scan3A_7 = %scan3A to %scan3A_4 step %scan3A_5  : i32 {
      %mul3A_8 = arith.constant 16 : i32
      %mul3A_9 = arith.muli %scan3A_7, %mul3A_8 : i32
      %add3A_10 = arith.constant 0 : i32
      %add3A_11 = arith.addi %add3A_10, %mul3A_9 : i32
      %dma_start3A = tpu.memref_slice %arg5[%add3A_11] : memref<128xi32, #tpu.memory_space<vmem>> -> memref<16xi32, #tpu.memory_space<vmem>>
      %dma_start3A_12 = arith.constant 0 : i32
      %dma_start3A_13 = arith.constant 0 : i32
      %dma_start3A_14 = tpu.memref_slice %arg2[%dma_start3A_12, %dma_start3A_13] : memref<151936x2048xf32, #tpu.memory_space<hbm>> -> memref<151936x2048xf32, #tpu.memory_space<hbm>>
      tpu.enqueue_indirect_dma source(%dma_start3A_14 : memref<151936x2048xf32, #tpu.memory_space<hbm>>) target(%arg6 : memref<16x2048xf32, #tpu.memory_space<vmem>>) offsets(%dma_start3A : memref<16xi32, #tpu.memory_space<vmem>>) semaphore(%arg7 : memref<!tpu.dma_semaphore, #tpu.memory_space<semaphore_mem>>)
      %dma_wait3A = tpu.memref_slice %arg5[%add3A_11] : memref<128xi32, #tpu.memory_space<vmem>> -> memref<16xi32, #tpu.memory_space<vmem>>
      %dma_wait3A_15 = arith.constant 0 : i32
      %dma_wait3A_16 = arith.constant 0 : i32
      %dma_wait3A_17 = tpu.memref_slice %arg2[%dma_wait3A_15, %dma_wait3A_16] : memref<151936x2048xf32, #tpu.memory_space<hbm>> -> memref<151936x2048xf32, #tpu.memory_space<hbm>>
      tpu.wait_indirect_dma semaphore(%arg7 : memref<!tpu.dma_semaphore, #tpu.memory_space<semaphore_mem>>) src(%dma_wait3A_17 : memref<151936x2048xf32, #tpu.memory_space<hbm>>) dst(%arg6 : memref<16x2048xf32, #tpu.memory_space<vmem>>)
      %add3A_18 = arith.addi %mul3A_2, %add3A_11 : i32
      "tpu.region"() ({
        %run_scoped3A = tpu.sem_alloc : memref<!tpu.dma_semaphore, #tpu.memory_space<semaphore_mem>>
        %dma_start3A_19 = arith.constant 0 : i32
        %dma_start3A_20 = tpu.memref_slice %arg4[%add3A_18, %dma_start3A_19] : memref<4096x2048xf32, #tpu.memory_space<hbm>> -> memref<16x2048xf32, #tpu.memory_space<hbm>>
        %dma_start3A_21 = arith.constant 0 : i32
        %dma_start3A_22 = tpu.memref_slice %arg4[%add3A_18, %dma_start3A_21] : memref<4096x2048xf32, #tpu.memory_space<hbm>> -> memref<16x2048xf32, #tpu.memory_space<hbm>>
        tpu.enqueue_dma source(%arg6 : memref<16x2048xf32, #tpu.memory_space<vmem>>) target(%dma_start3A_22 : memref<16x2048xf32, #tpu.memory_space<hbm>>) target_semaphore(%run_scoped3A : memref<!tpu.dma_semaphore, #tpu.memory_space<semaphore_mem>>)
        %dma_wait3A_23 = arith.constant 0 : i32
        %dma_wait3A_24 = tpu.memref_slice %arg4[%add3A_18, %dma_wait3A_23] : memref<4096x2048xf32, #tpu.memory_space<hbm>> -> memref<16x2048xf32, #tpu.memory_space<hbm>>
        %dma_wait3A_25 = arith.constant 0 : i32
        %dma_wait3A_26 = tpu.memref_slice %arg4[%add3A_18, %dma_wait3A_25] : memref<4096x2048xf32, #tpu.memory_space<hbm>> -> memref<16x2048xf32, #tpu.memory_space<hbm>>
        tpu.wait_dma2 semaphore(%run_scoped3A : memref<!tpu.dma_semaphore, #tpu.memory_space<semaphore_mem>>) src(%arg6 : memref<16x2048xf32, #tpu.memory_space<vmem>>) dst(%dma_wait3A_26 : memref<16x2048xf32, #tpu.memory_space<hbm>>)
        tpu.yield
      }) : () -> ()
    }
    %scan3A_6 = arith.constant 8 : i32
    return
  }
}

module attributes {stable_mosaic.version = 14 : i64} {
  func.func @body(%arg0: i32, %arg1: memref<512x2048xf32, #tpu.memory_space<vmem>>, %arg2: memref<2048x2048xbf16, #tpu.memory_space<vmem>>, %arg3: memref<1x2048xf32, #tpu.memory_space<vmem>>, %arg4: memref<2048x2048xbf16, #tpu.memory_space<vmem>>, %arg5: memref<1x2048xf32, #tpu.memory_space<vmem>>, %arg6: memref<1x2048xf32, #tpu.memory_space<vmem>>, %arg7: memref<1x2048xf32, #tpu.memory_space<vmem>>, %arg8: memref<2048x1024xbf16, #tpu.memory_space<vmem>>, %arg9: memref<1x1024xf32, #tpu.memory_space<vmem>>, %arg10: memref<1024x55xbf16, #tpu.memory_space<vmem>>, %arg11: memref<1x55xf32, #tpu.memory_space<vmem>>, %arg12: memref<16384x2048xf32, #tpu.memory_space<any>>, %arg13: memref<16384x55xf32, #tpu.memory_space<any>>, %arg14: memref<512x2048xf32, #tpu.memory_space<vmem>>, %arg15: memref<512x55xf32, #tpu.memory_space<vmem>>, %arg16: memref<512x2048xbf16, #tpu.memory_space<vmem>>, %arg17: memref<512x2048xbf16, #tpu.memory_space<vmem>>, %arg18: memref<512x2048xbf16, #tpu.memory_space<vmem>>, %arg19: memref<512x1024xbf16, #tpu.memory_space<vmem>>) attributes {dimension_semantics = [#tpu.dimension_semantics<arbitrary>], iteration_bounds = array<i64: 24>, scalar_prefetch = 0 : i64, scratch_operands = 4 : i64, tpu.core_type = #tpu.core_type<tc>, window_params = [{transform_indices = @transform_0, window_bounds = array<i64: 512, 2048>}, {pipeline_mode = #tpu.pipeline_mode<synchronous>, transform_indices = @transform_1, window_bounds = array<i64: 2048, 2048>}, {pipeline_mode = #tpu.pipeline_mode<synchronous>, transform_indices = @transform_2, window_bounds = array<i64: 1, 2048>}, {pipeline_mode = #tpu.pipeline_mode<synchronous>, transform_indices = @transform_3, window_bounds = array<i64: 2048, 2048>}, {pipeline_mode = #tpu.pipeline_mode<synchronous>, transform_indices = @transform_4, window_bounds = array<i64: 1, 2048>}, {pipeline_mode = #tpu.pipeline_mode<synchronous>, transform_indices = @transform_5, window_bounds = array<i64: 1, 2048>}, {pipeline_mode = #tpu.pipeline_mode<synchronous>, transform_indices = @transform_6, window_bounds = array<i64: 1, 2048>}, {pipeline_mode = #tpu.pipeline_mode<synchronous>, transform_indices = @transform_7, window_bounds = array<i64: 2048, 1024>}, {pipeline_mode = #tpu.pipeline_mode<synchronous>, transform_indices = @transform_8, window_bounds = array<i64: 1, 1024>}, {pipeline_mode = #tpu.pipeline_mode<synchronous>, transform_indices = @transform_9, window_bounds = array<i64: 1024, 55>}, {pipeline_mode = #tpu.pipeline_mode<synchronous>, transform_indices = @transform_10, window_bounds = array<i64: 1, 55>}, {}, {}, {transform_indices = @transform_13, window_bounds = array<i64: 512, 2048>}, {transform_indices = @transform_14, window_bounds = array<i64: 512, 55>}]} {
    %get3A = arith.constant 0 : index
    %get3A_0 = arith.constant 0 : index
    %get3A_1 = vector.load %arg1[%get3A, %get3A_0] : memref<512x2048xf32, #tpu.memory_space<vmem>>, vector<512x2048xf32>
    %convert_element_type3A = arith.truncf %get3A_1 : vector<512x2048xf32> to vector<512x2048xbf16>
    %swap3A = arith.constant 0 : index
    %swap3A_2 = arith.constant 0 : index
    %swap3A_3 = vector.load %arg16[%swap3A, %swap3A_2] : memref<512x2048xbf16, #tpu.memory_space<vmem>>, vector<512x2048xbf16>
    tpu.vector_store %arg16[%swap3A, %swap3A_2], %convert_element_type3A {strides = array<i32>} : memref<512x2048xbf16, #tpu.memory_space<vmem>>, vector<512x2048xbf16>,
    %get3A_4 = arith.constant 0 : index
    %get3A_5 = arith.constant 0 : index
    %get3A_6 = vector.load %arg16[%get3A_4, %get3A_5] : memref<512x2048xbf16, #tpu.memory_space<vmem>>, vector<512x2048xbf16>
    %get3A_7 = arith.constant 0 : index
    %get3A_8 = arith.constant 0 : index
    %get3A_9 = vector.load %arg2[%get3A_7, %get3A_8] : memref<2048x2048xbf16, #tpu.memory_space<vmem>>, vector<2048x2048xbf16>
    %dot_general3A = arith.constant dense<0.000000e+00> : vector<512x2048xf32>
    %dot_general3A_10 = tpu.matmul %get3A_6, %get3A_9, %dot_general3A {dimension_numbers = #tpu.dot_dimension_numbers<[1], [0], [0], [1], [0, 0, 1, 1], [], []>, transpose_lhs_hint = false} : vector<512x2048xbf16>, vector<2048x2048xbf16>, vector<512x2048xf32> -> vector<512x2048xf32>
    %get3A_11 = arith.constant 0 : index
    %get3A_12 = arith.constant 0 : index
    %get3A_13 = vector.load %arg3[%get3A_11, %get3A_12] : memref<1x2048xf32, #tpu.memory_space<vmem>>, vector<1x2048xf32>
    %add3A = vector.broadcast %get3A_13 : vector<1x2048xf32> to vector<512x2048xf32>
    %add3A_14 = arith.addf %dot_general3A_10, %add3A : vector<512x2048xf32>
    %mul3A = arith.constant 5.000000e-01 : f32
    %mul3A_15 = vector.broadcast %mul3A : f32 to vector<512x2048xf32>
    %mul3A_16 = arith.mulf %mul3A_15, %add3A_14 : vector<512x2048xf32>
    %mul3A_17 = arith.constant 0.707106769 : f32
    %mul3A_18 = vector.broadcast %mul3A_17 : f32 to vector<512x2048xf32>
    %mul3A_19 = arith.mulf %add3A_14, %mul3A_18 : vector<512x2048xf32>
    %erf3A = math.erf %mul3A_19 : vector<512x2048xf32>
    %add3A_20 = arith.constant 1.000000e+00 : f32
    %add3A_21 = vector.broadcast %add3A_20 : f32 to vector<512x2048xf32>
    %add3A_22 = arith.addf %add3A_21, %erf3A : vector<512x2048xf32>
    %mul3A_23 = arith.mulf %mul3A_16, %add3A_22 : vector<512x2048xf32>
    %convert_element_type3A_24 = arith.truncf %mul3A_23 : vector<512x2048xf32> to vector<512x2048xbf16>
    %swap3A_25 = arith.constant 0 : index
    %swap3A_26 = arith.constant 0 : index
    %swap3A_27 = vector.load %arg17[%swap3A_25, %swap3A_26] : memref<512x2048xbf16, #tpu.memory_space<vmem>>, vector<512x2048xbf16>
    tpu.vector_store %arg17[%swap3A_25, %swap3A_26], %convert_element_type3A_24 {strides = array<i32>} : memref<512x2048xbf16, #tpu.memory_space<vmem>>, vector<512x2048xbf16>,
    %get3A_28 = arith.constant 0 : index
    %get3A_29 = arith.constant 0 : index
    %get3A_30 = vector.load %arg17[%get3A_28, %get3A_29] : memref<512x2048xbf16, #tpu.memory_space<vmem>>, vector<512x2048xbf16>
    %get3A_31 = arith.constant 0 : index
    %get3A_32 = arith.constant 0 : index
    %get3A_33 = vector.load %arg4[%get3A_31, %get3A_32] : memref<2048x2048xbf16, #tpu.memory_space<vmem>>, vector<2048x2048xbf16>
    %dot_general3A_34 = arith.constant dense<0.000000e+00> : vector<512x2048xf32>
    %dot_general3A_35 = tpu.matmul %get3A_30, %get3A_33, %dot_general3A_34 {dimension_numbers = #tpu.dot_dimension_numbers<[1], [0], [0], [1], [0, 0, 1, 1], [], []>, transpose_lhs_hint = false} : vector<512x2048xbf16>, vector<2048x2048xbf16>, vector<512x2048xf32> -> vector<512x2048xf32>
    %get3A_36 = arith.constant 0 : index
    %get3A_37 = arith.constant 0 : index
    %get3A_38 = vector.load %arg5[%get3A_36, %get3A_37] : memref<1x2048xf32, #tpu.memory_space<vmem>>, vector<1x2048xf32>
    %add3A_39 = vector.broadcast %get3A_38 : vector<1x2048xf32> to vector<512x2048xf32>
    %add3A_40 = arith.addf %dot_general3A_35, %add3A_39 : vector<512x2048xf32>
    %add3A_41 = arith.addf %get3A_1, %add3A_40 : vector<512x2048xf32>
    %swap3A_42 = arith.constant 0 : index
    %swap3A_43 = arith.constant 0 : index
    %swap3A_44 = vector.load %arg14[%swap3A_42, %swap3A_43] : memref<512x2048xf32, #tpu.memory_space<vmem>>, vector<512x2048xf32>
    tpu.vector_store %arg14[%swap3A_42, %swap3A_43], %add3A_41 {strides = array<i32>} : memref<512x2048xf32, #tpu.memory_space<vmem>>, vector<512x2048xf32>,
    %reduce_sum3A = arith.constant dense<0.000000e+00> : vector<512xf32>
    %reduce_sum3A_45 = vector.multi_reduction <add>, %add3A_41, %reduce_sum3A [1] : vector<512x2048xf32> to vector<512xf32>
    %broadcast_in_dim3A = vector.shape_cast %reduce_sum3A_45 : vector<512xf32> to vector<512x1xf32>
    %div3A = arith.constant 2.048000e+03 : f32
    %div3A_46 = vector.broadcast %div3A : f32 to vector<512x1xf32>
    %div3A_47 = arith.divf %broadcast_in_dim3A, %div3A_46 : vector<512x1xf32>
    %mul3A_48 = arith.mulf %add3A_41, %add3A_41 : vector<512x2048xf32>
    %reduce_sum3A_49 = arith.constant dense<0.000000e+00> : vector<512xf32>
    %reduce_sum3A_50 = vector.multi_reduction <add>, %mul3A_48, %reduce_sum3A_49 [1] : vector<512x2048xf32> to vector<512xf32>
    %broadcast_in_dim3A_51 = vector.shape_cast %reduce_sum3A_50 : vector<512xf32> to vector<512x1xf32>
    %div3A_52 = arith.constant 2.048000e+03 : f32
    %div3A_53 = vector.broadcast %div3A_52 : f32 to vector<512x1xf32>
    %div3A_54 = arith.divf %broadcast_in_dim3A_51, %div3A_53 : vector<512x1xf32>
    %mul3A_55 = arith.mulf %div3A_47, %div3A_47 : vector<512x1xf32>
    %sub3A = arith.subf %div3A_54, %mul3A_55 : vector<512x1xf32>
    %sub3A_56 = vector.broadcast %div3A_47 : vector<512x1xf32> to vector<512x2048xf32>
    %sub3A_57 = arith.subf %add3A_41, %sub3A_56 : vector<512x2048xf32>
    %add3A_58 = arith.constant 9.99999974E-6 : f32
    %add3A_59 = vector.broadcast %add3A_58 : f32 to vector<512x1xf32>
    %add3A_60 = arith.addf %sub3A, %add3A_59 : vector<512x1xf32>
    %rsqrt3A = math.rsqrt %add3A_60 : vector<512x1xf32>
    %mul3A_61 = vector.broadcast %rsqrt3A : vector<512x1xf32> to vector<512x2048xf32>
    %mul3A_62 = arith.mulf %sub3A_57, %mul3A_61 : vector<512x2048xf32>
    %get3A_63 = arith.constant 0 : index
    %get3A_64 = arith.constant 0 : index
    %get3A_65 = vector.load %arg6[%get3A_63, %get3A_64] : memref<1x2048xf32, #tpu.memory_space<vmem>>, vector<1x2048xf32>
    %mul3A_66 = vector.broadcast %get3A_65 : vector<1x2048xf32> to vector<512x2048xf32>
    %mul3A_67 = arith.mulf %mul3A_62, %mul3A_66 : vector<512x2048xf32>
    %get3A_68 = arith.constant 0 : index
    %get3A_69 = arith.constant 0 : index
    %get3A_70 = vector.load %arg7[%get3A_68, %get3A_69] : memref<1x2048xf32, #tpu.memory_space<vmem>>, vector<1x2048xf32>
    %add3A_71 = vector.broadcast %get3A_70 : vector<1x2048xf32> to vector<512x2048xf32>
    %add3A_72 = arith.addf %mul3A_67, %add3A_71 : vector<512x2048xf32>
    %convert_element_type3A_73 = arith.truncf %add3A_72 : vector<512x2048xf32> to vector<512x2048xbf16>
    %swap3A_74 = arith.constant 0 : index
    %swap3A_75 = arith.constant 0 : index
    %swap3A_76 = vector.load %arg18[%swap3A_74, %swap3A_75] : memref<512x2048xbf16, #tpu.memory_space<vmem>>, vector<512x2048xbf16>
    tpu.vector_store %arg18[%swap3A_74, %swap3A_75], %convert_element_type3A_73 {strides = array<i32>} : memref<512x2048xbf16, #tpu.memory_space<vmem>>, vector<512x2048xbf16>,
    %get3A_77 = arith.constant 0 : index
    %get3A_78 = arith.constant 0 : index
    %get3A_79 = vector.load %arg18[%get3A_77, %get3A_78] : memref<512x2048xbf16, #tpu.memory_space<vmem>>, vector<512x2048xbf16>
    %get3A_80 = arith.constant 0 : index
    %get3A_81 = arith.constant 0 : index
    %get3A_82 = vector.load %arg8[%get3A_80, %get3A_81] : memref<2048x1024xbf16, #tpu.memory_space<vmem>>, vector<2048x1024xbf16>
    %dot_general3A_83 = arith.constant dense<0.000000e+00> : vector<512x1024xf32>
    %dot_general3A_84 = tpu.matmul %get3A_79, %get3A_82, %dot_general3A_83 {dimension_numbers = #tpu.dot_dimension_numbers<[1], [0], [0], [1], [0, 0, 1, 1], [], []>, transpose_lhs_hint = false} : vector<512x2048xbf16>, vector<2048x1024xbf16>, vector<512x1024xf32> -> vector<512x1024xf32>
    %get3A_85 = arith.constant 0 : index
    %get3A_86 = arith.constant 0 : index
    %get3A_87 = vector.load %arg9[%get3A_85, %get3A_86] : memref<1x1024xf32, #tpu.memory_space<vmem>>, vector<1x1024xf32>
    %add3A_88 = vector.broadcast %get3A_87 : vector<1x1024xf32> to vector<512x1024xf32>
    %add3A_89 = arith.addf %dot_general3A_84, %add3A_88 : vector<512x1024xf32>
    %max3A = arith.constant 0.000000e+00 : f32
    %max3A_90 = vector.broadcast %max3A : f32 to vector<512x1024xf32>
    %max3A_91 = arith.maximumf %add3A_89, %max3A_90 : vector<512x1024xf32>
    %convert_element_type3A_92 = arith.truncf %max3A_91 : vector<512x1024xf32> to vector<512x1024xbf16>
    %swap3A_93 = arith.constant 0 : index
    %swap3A_94 = arith.constant 0 : index
    %swap3A_95 = vector.load %arg19[%swap3A_93, %swap3A_94] : memref<512x1024xbf16, #tpu.memory_space<vmem>>, vector<512x1024xbf16>
    tpu.vector_store %arg19[%swap3A_93, %swap3A_94], %convert_element_type3A_92 {strides = array<i32>} : memref<512x1024xbf16, #tpu.memory_space<vmem>>, vector<512x1024xbf16>,
    %get3A_96 = arith.constant 0 : index
    %get3A_97 = arith.constant 0 : index
    %get3A_98 = vector.load %arg19[%get3A_96, %get3A_97] : memref<512x1024xbf16, #tpu.memory_space<vmem>>, vector<512x1024xbf16>
    %get3A_99 = arith.constant 0 : index
    %get3A_100 = arith.constant 0 : index
    %get3A_101 = vector.load %arg10[%get3A_99, %get3A_100] : memref<1024x55xbf16, #tpu.memory_space<vmem>>, vector<1024x55xbf16>
    %dot_general3A_102 = arith.constant dense<0.000000e+00> : vector<512x55xf32>
    %dot_general3A_103 = tpu.matmul %get3A_98, %get3A_101, %dot_general3A_102 {dimension_numbers = #tpu.dot_dimension_numbers<[1], [0], [0], [1], [0, 0, 1, 1], [], []>, transpose_lhs_hint = false} : vector<512x1024xbf16>, vector<1024x55xbf16>, vector<512x55xf32> -> vector<512x55xf32>
    %get3A_104 = arith.constant 0 : index
    %get3A_105 = arith.constant 0 : index
    %get3A_106 = vector.load %arg11[%get3A_104, %get3A_105] : memref<1x55xf32, #tpu.memory_space<vmem>>, vector<1x55xf32>
    %add3A_107 = vector.broadcast %get3A_106 : vector<1x55xf32> to vector<512x55xf32>
    %add3A_108 = arith.addf %dot_general3A_103, %add3A_107 : vector<512x55xf32>
    %swap3A_109 = arith.constant 0 : index
    %swap3A_110 = arith.constant 0 : index
    %swap3A_111 = vector.load %arg15[%swap3A_109, %swap3A_110] : memref<512x55xf32, #tpu.memory_space<vmem>>, vector<512x55xf32>
    tpu.vector_store %arg15[%swap3A_109, %swap3A_110], %add3A_108 {strides = array<i32>} : memref<512x55xf32, #tpu.memory_space<vmem>>, vector<512x55xf32>,
    return
  }
  func.func @transform_0(%arg0: i32) -> (i32, i32) {
    %c0_i32 = arith.constant 0 : i32
    %c0_i32_0 = arith.constant 0 : i32
    return %arg0, %c0_i32 : i32, i32
  }
  func.func @transform_1(%arg0: i32) -> (i32, i32) {
    %c0_i32 = arith.constant 0 : i32
    %c0_i32_0 = arith.constant 0 : i32
    %c0_i32_1 = arith.constant 0 : i32
    return %c0_i32, %c0_i32_0 : i32, i32
  }
  func.func @transform_2(%arg0: i32) -> (i32, i32) {
    %c0_i32 = arith.constant 0 : i32
    %c0_i32_0 = arith.constant 0 : i32
    %c0_i32_1 = arith.constant 0 : i32
    return %c0_i32, %c0_i32_0 : i32, i32
  }
  func.func @transform_3(%arg0: i32) -> (i32, i32) {
    %c0_i32 = arith.constant 0 : i32
    %c0_i32_0 = arith.constant 0 : i32
    %c0_i32_1 = arith.constant 0 : i32
    return %c0_i32, %c0_i32_0 : i32, i32
  }
  func.func @transform_4(%arg0: i32) -> (i32, i32) {
    %c0_i32 = arith.constant 0 : i32
    %c0_i32_0 = arith.constant 0 : i32
    %c0_i32_1 = arith.constant 0 : i32
    return %c0_i32, %c0_i32_0 : i32, i32
  }
  func.func @transform_5(%arg0: i32) -> (i32, i32) {
    %c0_i32 = arith.constant 0 : i32
    %c0_i32_0 = arith.constant 0 : i32
    %c0_i32_1 = arith.constant 0 : i32
    return %c0_i32, %c0_i32_0 : i32, i32
  }
  func.func @transform_6(%arg0: i32) -> (i32, i32) {
    %c0_i32 = arith.constant 0 : i32
    %c0_i32_0 = arith.constant 0 : i32
    %c0_i32_1 = arith.constant 0 : i32
    return %c0_i32, %c0_i32_0 : i32, i32
  }
  func.func @transform_7(%arg0: i32) -> (i32, i32) {
    %c0_i32 = arith.constant 0 : i32
    %c0_i32_0 = arith.constant 0 : i32
    %c0_i32_1 = arith.constant 0 : i32
    return %c0_i32, %c0_i32_0 : i32, i32
  }
  func.func @transform_8(%arg0: i32) -> (i32, i32) {
    %c0_i32 = arith.constant 0 : i32
    %c0_i32_0 = arith.constant 0 : i32
    %c0_i32_1 = arith.constant 0 : i32
    return %c0_i32, %c0_i32_0 : i32, i32
  }
  func.func @transform_9(%arg0: i32) -> (i32, i32) {
    %c0_i32 = arith.constant 0 : i32
    %c0_i32_0 = arith.constant 0 : i32
    %c0_i32_1 = arith.constant 0 : i32
    return %c0_i32, %c0_i32_0 : i32, i32
  }
  func.func @transform_10(%arg0: i32) -> (i32, i32) {
    %c0_i32 = arith.constant 0 : i32
    %c0_i32_0 = arith.constant 0 : i32
    %c0_i32_1 = arith.constant 0 : i32
    return %c0_i32, %c0_i32_0 : i32, i32
  }
  func.func @transform_13(%arg0: i32) -> (i32, i32) {
    %add3A = arith.constant 8 : i32
    %add3A_0 = arith.addi %add3A, %arg0 : i32
    %c0_i32 = arith.constant 0 : i32
    %c0_i32_1 = arith.constant 0 : i32
    return %add3A_0, %c0_i32 : i32, i32
  }
  func.func @transform_14(%arg0: i32) -> (i32, i32) {
    %add3A = arith.constant 8 : i32
    %add3A_0 = arith.addi %add3A, %arg0 : i32
    %c0_i32 = arith.constant 0 : i32
    %c0_i32_1 = arith.constant 0 : i32
    return %add3A_0, %c0_i32 : i32, i32
  }
}

module attributes {stable_mosaic.version = 14 : i64} {
  func.func @body(%arg0: i32, %arg1: memref<256x2048xf32, #tpu.memory_space<vmem>>, %arg2: memref<256x2048xf32, #tpu.memory_space<vmem>>, %arg3: memref<256x1024xf32, #tpu.memory_space<vmem>>, %arg4: memref<256x2048xbf16, #tpu.memory_space<vmem>>, %arg5: memref<256x2048xbf16, #tpu.memory_space<vmem>>, %arg6: memref<256x1024xbf16, #tpu.memory_space<vmem>>) attributes {dimension_semantics = [#tpu.dimension_semantics<arbitrary>], iteration_bounds = array<i64: 8>, scalar_prefetch = 0 : i64, scratch_operands = 0 : i64, tpu.core_type = #tpu.core_type<tc>, window_params = [{transform_indices = @transform_0, window_bounds = array<i64: 256, 2048>}, {transform_indices = @transform_1, window_bounds = array<i64: 256, 2048>}, {transform_indices = @transform_2, window_bounds = array<i64: 256, 1024>}, {transform_indices = @transform_3, window_bounds = array<i64: 256, 2048>}, {transform_indices = @transform_4, window_bounds = array<i64: 256, 2048>}, {transform_indices = @transform_5, window_bounds = array<i64: 256, 1024>}]} {
    %get3A = arith.constant 0 : index
    %get3A_0 = arith.constant 0 : index
    %get3A_1 = vector.load %arg1[%get3A, %get3A_0] : memref<256x2048xf32, #tpu.memory_space<vmem>>, vector<256x2048xf32>
    %convert_element_type3A = arith.truncf %get3A_1 : vector<256x2048xf32> to vector<256x2048xbf16>
    %swap3A = arith.constant 0 : index
    %swap3A_2 = arith.constant 0 : index
    %swap3A_3 = vector.load %arg4[%swap3A, %swap3A_2] : memref<256x2048xbf16, #tpu.memory_space<vmem>>, vector<256x2048xbf16>
    tpu.vector_store %arg4[%swap3A, %swap3A_2], %convert_element_type3A {strides = array<i32>} : memref<256x2048xbf16, #tpu.memory_space<vmem>>, vector<256x2048xbf16>,
    %get3A_4 = arith.constant 0 : index
    %get3A_5 = arith.constant 0 : index
    %get3A_6 = vector.load %arg2[%get3A_4, %get3A_5] : memref<256x2048xf32, #tpu.memory_space<vmem>>, vector<256x2048xf32>
    %convert_element_type3A_7 = arith.truncf %get3A_6 : vector<256x2048xf32> to vector<256x2048xbf16>
    %swap3A_8 = arith.constant 0 : index
    %swap3A_9 = arith.constant 0 : index
    %swap3A_10 = vector.load %arg5[%swap3A_8, %swap3A_9] : memref<256x2048xbf16, #tpu.memory_space<vmem>>, vector<256x2048xbf16>
    tpu.vector_store %arg5[%swap3A_8, %swap3A_9], %convert_element_type3A_7 {strides = array<i32>} : memref<256x2048xbf16, #tpu.memory_space<vmem>>, vector<256x2048xbf16>,
    %get3A_11 = arith.constant 0 : index
    %get3A_12 = arith.constant 0 : index
    %get3A_13 = vector.load %arg3[%get3A_11, %get3A_12] : memref<256x1024xf32, #tpu.memory_space<vmem>>, vector<256x1024xf32>
    %convert_element_type3A_14 = arith.truncf %get3A_13 : vector<256x1024xf32> to vector<256x1024xbf16>
    %swap3A_15 = arith.constant 0 : index
    %swap3A_16 = arith.constant 0 : index
    %swap3A_17 = vector.load %arg6[%swap3A_15, %swap3A_16] : memref<256x1024xbf16, #tpu.memory_space<vmem>>, vector<256x1024xbf16>
    tpu.vector_store %arg6[%swap3A_15, %swap3A_16], %convert_element_type3A_14 {strides = array<i32>} : memref<256x1024xbf16, #tpu.memory_space<vmem>>, vector<256x1024xbf16>,
    return
  }
  func.func @transform_0(%arg0: i32) -> (i32, i32) {
    %c0_i32 = arith.constant 0 : i32
    %c0_i32_0 = arith.constant 0 : i32
    return %arg0, %c0_i32 : i32, i32
  }
  func.func @transform_1(%arg0: i32) -> (i32, i32) {
    %c0_i32 = arith.constant 0 : i32
    %c0_i32_0 = arith.constant 0 : i32
    return %arg0, %c0_i32 : i32, i32
  }
  func.func @transform_2(%arg0: i32) -> (i32, i32) {
    %c0_i32 = arith.constant 0 : i32
    %c0_i32_0 = arith.constant 0 : i32
    return %arg0, %c0_i32 : i32, i32
  }
  func.func @transform_3(%arg0: i32) -> (i32, i32) {
    %c0_i32 = arith.constant 0 : i32
    %c0_i32_0 = arith.constant 0 : i32
    return %arg0, %c0_i32 : i32, i32
  }
  func.func @transform_4(%arg0: i32) -> (i32, i32) {
    %c0_i32 = arith.constant 0 : i32
    %c0_i32_0 = arith.constant 0 : i32
    return %arg0, %c0_i32 : i32, i32
  }
  func.func @transform_5(%arg0: i32) -> (i32, i32) {
    %c0_i32 = arith.constant 0 : i32
    %c0_i32_0 = arith.constant 0 : i32
    return %arg0, %c0_i32 : i32, i32
  }
}

module attributes {stable_mosaic.version = 14 : i64} {
  func.func @body(%arg0: i32, %arg1: memref<512x2048xf32, #tpu.memory_space<vmem>>, %arg2: memref<2048x2048xbf16, #tpu.memory_space<vmem>>, %arg3: memref<1x2048xf32, #tpu.memory_space<vmem>>, %arg4: memref<2048x2048xbf16, #tpu.memory_space<vmem>>, %arg5: memref<1x2048xf32, #tpu.memory_space<vmem>>, %arg6: memref<1x2048xf32, #tpu.memory_space<vmem>>, %arg7: memref<1x2048xf32, #tpu.memory_space<vmem>>, %arg8: memref<2048x1024xbf16, #tpu.memory_space<vmem>>, %arg9: memref<1x1024xf32, #tpu.memory_space<vmem>>, %arg10: memref<1024x55xbf16, #tpu.memory_space<vmem>>, %arg11: memref<1x55xf32, #tpu.memory_space<vmem>>, %arg12: memref<512x2048xf32, #tpu.memory_space<vmem>>, %arg13: memref<512x55xf32, #tpu.memory_space<vmem>>, %arg14: memref<512x2048xbf16, #tpu.memory_space<vmem>>, %arg15: memref<512x2048xbf16, #tpu.memory_space<vmem>>, %arg16: memref<512x2048xbf16, #tpu.memory_space<vmem>>, %arg17: memref<512x1024xbf16, #tpu.memory_space<vmem>>) attributes {dimension_semantics = [#tpu.dimension_semantics<arbitrary>], iteration_bounds = array<i64: 8>, scalar_prefetch = 0 : i64, scratch_operands = 4 : i64, tpu.core_type = #tpu.core_type<tc>, window_params = [{transform_indices = @transform_0, window_bounds = array<i64: 512, 2048>}, {pipeline_mode = #tpu.pipeline_mode<synchronous>, transform_indices = @transform_1, window_bounds = array<i64: 2048, 2048>}, {pipeline_mode = #tpu.pipeline_mode<synchronous>, transform_indices = @transform_2, window_bounds = array<i64: 1, 2048>}, {pipeline_mode = #tpu.pipeline_mode<synchronous>, transform_indices = @transform_3, window_bounds = array<i64: 2048, 2048>}, {pipeline_mode = #tpu.pipeline_mode<synchronous>, transform_indices = @transform_4, window_bounds = array<i64: 1, 2048>}, {pipeline_mode = #tpu.pipeline_mode<synchronous>, transform_indices = @transform_5, window_bounds = array<i64: 1, 2048>}, {pipeline_mode = #tpu.pipeline_mode<synchronous>, transform_indices = @transform_6, window_bounds = array<i64: 1, 2048>}, {pipeline_mode = #tpu.pipeline_mode<synchronous>, transform_indices = @transform_7, window_bounds = array<i64: 2048, 1024>}, {pipeline_mode = #tpu.pipeline_mode<synchronous>, transform_indices = @transform_8, window_bounds = array<i64: 1, 1024>}, {pipeline_mode = #tpu.pipeline_mode<synchronous>, transform_indices = @transform_9, window_bounds = array<i64: 1024, 55>}, {pipeline_mode = #tpu.pipeline_mode<synchronous>, transform_indices = @transform_10, window_bounds = array<i64: 1, 55>}, {transform_indices = @transform_11, window_bounds = array<i64: 512, 2048>}, {transform_indices = @transform_12, window_bounds = array<i64: 512, 55>}]} {
    %get3A = arith.constant 0 : index
    %get3A_0 = arith.constant 0 : index
    %get3A_1 = vector.load %arg1[%get3A, %get3A_0] : memref<512x2048xf32, #tpu.memory_space<vmem>>, vector<512x2048xf32>
    %convert_element_type3A = arith.truncf %get3A_1 : vector<512x2048xf32> to vector<512x2048xbf16>
    %swap3A = arith.constant 0 : index
    %swap3A_2 = arith.constant 0 : index
    %swap3A_3 = vector.load %arg14[%swap3A, %swap3A_2] : memref<512x2048xbf16, #tpu.memory_space<vmem>>, vector<512x2048xbf16>
    tpu.vector_store %arg14[%swap3A, %swap3A_2], %convert_element_type3A {strides = array<i32>} : memref<512x2048xbf16, #tpu.memory_space<vmem>>, vector<512x2048xbf16>,
    %get3A_4 = arith.constant 0 : index
    %get3A_5 = arith.constant 0 : index
    %get3A_6 = vector.load %arg14[%get3A_4, %get3A_5] : memref<512x2048xbf16, #tpu.memory_space<vmem>>, vector<512x2048xbf16>
    %get3A_7 = arith.constant 0 : index
    %get3A_8 = arith.constant 0 : index
    %get3A_9 = vector.load %arg2[%get3A_7, %get3A_8] : memref<2048x2048xbf16, #tpu.memory_space<vmem>>, vector<2048x2048xbf16>
    %dot_general3A = arith.constant dense<0.000000e+00> : vector<512x2048xf32>
    %dot_general3A_10 = tpu.matmul %get3A_6, %get3A_9, %dot_general3A {dimension_numbers = #tpu.dot_dimension_numbers<[1], [0], [0], [1], [0, 0, 1, 1], [], []>, transpose_lhs_hint = false} : vector<512x2048xbf16>, vector<2048x2048xbf16>, vector<512x2048xf32> -> vector<512x2048xf32>
    %get3A_11 = arith.constant 0 : index
    %get3A_12 = arith.constant 0 : index
    %get3A_13 = vector.load %arg3[%get3A_11, %get3A_12] : memref<1x2048xf32, #tpu.memory_space<vmem>>, vector<1x2048xf32>
    %add3A = vector.broadcast %get3A_13 : vector<1x2048xf32> to vector<512x2048xf32>
    %add3A_14 = arith.addf %dot_general3A_10, %add3A : vector<512x2048xf32>
    %mul3A = arith.constant 5.000000e-01 : f32
    %mul3A_15 = vector.broadcast %mul3A : f32 to vector<512x2048xf32>
    %mul3A_16 = arith.mulf %mul3A_15, %add3A_14 : vector<512x2048xf32>
    %mul3A_17 = arith.constant 0.707106769 : f32
    %mul3A_18 = vector.broadcast %mul3A_17 : f32 to vector<512x2048xf32>
    %mul3A_19 = arith.mulf %add3A_14, %mul3A_18 : vector<512x2048xf32>
    %erf3A = math.erf %mul3A_19 : vector<512x2048xf32>
    %add3A_20 = arith.constant 1.000000e+00 : f32
    %add3A_21 = vector.broadcast %add3A_20 : f32 to vector<512x2048xf32>
    %add3A_22 = arith.addf %add3A_21, %erf3A : vector<512x2048xf32>
    %mul3A_23 = arith.mulf %mul3A_16, %add3A_22 : vector<512x2048xf32>
    %convert_element_type3A_24 = arith.truncf %mul3A_23 : vector<512x2048xf32> to vector<512x2048xbf16>
    %swap3A_25 = arith.constant 0 : index
    %swap3A_26 = arith.constant 0 : index
    %swap3A_27 = vector.load %arg15[%swap3A_25, %swap3A_26] : memref<512x2048xbf16, #tpu.memory_space<vmem>>, vector<512x2048xbf16>
    tpu.vector_store %arg15[%swap3A_25, %swap3A_26], %convert_element_type3A_24 {strides = array<i32>} : memref<512x2048xbf16, #tpu.memory_space<vmem>>, vector<512x2048xbf16>,
    %get3A_28 = arith.constant 0 : index
    %get3A_29 = arith.constant 0 : index
    %get3A_30 = vector.load %arg15[%get3A_28, %get3A_29] : memref<512x2048xbf16, #tpu.memory_space<vmem>>, vector<512x2048xbf16>
    %get3A_31 = arith.constant 0 : index
    %get3A_32 = arith.constant 0 : index
    %get3A_33 = vector.load %arg4[%get3A_31, %get3A_32] : memref<2048x2048xbf16, #tpu.memory_space<vmem>>, vector<2048x2048xbf16>
    %dot_general3A_34 = arith.constant dense<0.000000e+00> : vector<512x2048xf32>
    %dot_general3A_35 = tpu.matmul %get3A_30, %get3A_33, %dot_general3A_34 {dimension_numbers = #tpu.dot_dimension_numbers<[1], [0], [0], [1], [0, 0, 1, 1], [], []>, transpose_lhs_hint = false} : vector<512x2048xbf16>, vector<2048x2048xbf16>, vector<512x2048xf32> -> vector<512x2048xf32>
    %get3A_36 = arith.constant 0 : index
    %get3A_37 = arith.constant 0 : index
    %get3A_38 = vector.load %arg5[%get3A_36, %get3A_37] : memref<1x2048xf32, #tpu.memory_space<vmem>>, vector<1x2048xf32>
    %add3A_39 = vector.broadcast %get3A_38 : vector<1x2048xf32> to vector<512x2048xf32>
    %add3A_40 = arith.addf %dot_general3A_35, %add3A_39 : vector<512x2048xf32>
    %add3A_41 = arith.addf %get3A_1, %add3A_40 : vector<512x2048xf32>
    %swap3A_42 = arith.constant 0 : index
    %swap3A_43 = arith.constant 0 : index
    %swap3A_44 = vector.load %arg12[%swap3A_42, %swap3A_43] : memref<512x2048xf32, #tpu.memory_space<vmem>>, vector<512x2048xf32>
    tpu.vector_store %arg12[%swap3A_42, %swap3A_43], %add3A_41 {strides = array<i32>} : memref<512x2048xf32, #tpu.memory_space<vmem>>, vector<512x2048xf32>,
    %reduce_sum3A = arith.constant dense<0.000000e+00> : vector<512xf32>
    %reduce_sum3A_45 = vector.multi_reduction <add>, %add3A_41, %reduce_sum3A [1] : vector<512x2048xf32> to vector<512xf32>
    %broadcast_in_dim3A = vector.shape_cast %reduce_sum3A_45 : vector<512xf32> to vector<512x1xf32>
    %div3A = arith.constant 2.048000e+03 : f32
    %div3A_46 = vector.broadcast %div3A : f32 to vector<512x1xf32>
    %div3A_47 = arith.divf %broadcast_in_dim3A, %div3A_46 : vector<512x1xf32>
    %mul3A_48 = arith.mulf %add3A_41, %add3A_41 : vector<512x2048xf32>
    %reduce_sum3A_49 = arith.constant dense<0.000000e+00> : vector<512xf32>
    %reduce_sum3A_50 = vector.multi_reduction <add>, %mul3A_48, %reduce_sum3A_49 [1] : vector<512x2048xf32> to vector<512xf32>
    %broadcast_in_dim3A_51 = vector.shape_cast %reduce_sum3A_50 : vector<512xf32> to vector<512x1xf32>
    %div3A_52 = arith.constant 2.048000e+03 : f32
    %div3A_53 = vector.broadcast %div3A_52 : f32 to vector<512x1xf32>
    %div3A_54 = arith.divf %broadcast_in_dim3A_51, %div3A_53 : vector<512x1xf32>
    %mul3A_55 = arith.mulf %div3A_47, %div3A_47 : vector<512x1xf32>
    %sub3A = arith.subf %div3A_54, %mul3A_55 : vector<512x1xf32>
    %sub3A_56 = vector.broadcast %div3A_47 : vector<512x1xf32> to vector<512x2048xf32>
    %sub3A_57 = arith.subf %add3A_41, %sub3A_56 : vector<512x2048xf32>
    %add3A_58 = arith.constant 9.99999974E-6 : f32
    %add3A_59 = vector.broadcast %add3A_58 : f32 to vector<512x1xf32>
    %add3A_60 = arith.addf %sub3A, %add3A_59 : vector<512x1xf32>
    %rsqrt3A = math.rsqrt %add3A_60 : vector<512x1xf32>
    %mul3A_61 = vector.broadcast %rsqrt3A : vector<512x1xf32> to vector<512x2048xf32>
    %mul3A_62 = arith.mulf %sub3A_57, %mul3A_61 : vector<512x2048xf32>
    %get3A_63 = arith.constant 0 : index
    %get3A_64 = arith.constant 0 : index
    %get3A_65 = vector.load %arg6[%get3A_63, %get3A_64] : memref<1x2048xf32, #tpu.memory_space<vmem>>, vector<1x2048xf32>
    %mul3A_66 = vector.broadcast %get3A_65 : vector<1x2048xf32> to vector<512x2048xf32>
    %mul3A_67 = arith.mulf %mul3A_62, %mul3A_66 : vector<512x2048xf32>
    %get3A_68 = arith.constant 0 : index
    %get3A_69 = arith.constant 0 : index
    %get3A_70 = vector.load %arg7[%get3A_68, %get3A_69] : memref<1x2048xf32, #tpu.memory_space<vmem>>, vector<1x2048xf32>
    %add3A_71 = vector.broadcast %get3A_70 : vector<1x2048xf32> to vector<512x2048xf32>
    %add3A_72 = arith.addf %mul3A_67, %add3A_71 : vector<512x2048xf32>
    %convert_element_type3A_73 = arith.truncf %add3A_72 : vector<512x2048xf32> to vector<512x2048xbf16>
    %swap3A_74 = arith.constant 0 : index
    %swap3A_75 = arith.constant 0 : index
    %swap3A_76 = vector.load %arg16[%swap3A_74, %swap3A_75] : memref<512x2048xbf16, #tpu.memory_space<vmem>>, vector<512x2048xbf16>
    tpu.vector_store %arg16[%swap3A_74, %swap3A_75], %convert_element_type3A_73 {strides = array<i32>} : memref<512x2048xbf16, #tpu.memory_space<vmem>>, vector<512x2048xbf16>,
    %get3A_77 = arith.constant 0 : index
    %get3A_78 = arith.constant 0 : index
    %get3A_79 = vector.load %arg16[%get3A_77, %get3A_78] : memref<512x2048xbf16, #tpu.memory_space<vmem>>, vector<512x2048xbf16>
    %get3A_80 = arith.constant 0 : index
    %get3A_81 = arith.constant 0 : index
    %get3A_82 = vector.load %arg8[%get3A_80, %get3A_81] : memref<2048x1024xbf16, #tpu.memory_space<vmem>>, vector<2048x1024xbf16>
    %dot_general3A_83 = arith.constant dense<0.000000e+00> : vector<512x1024xf32>
    %dot_general3A_84 = tpu.matmul %get3A_79, %get3A_82, %dot_general3A_83 {dimension_numbers = #tpu.dot_dimension_numbers<[1], [0], [0], [1], [0, 0, 1, 1], [], []>, transpose_lhs_hint = false} : vector<512x2048xbf16>, vector<2048x1024xbf16>, vector<512x1024xf32> -> vector<512x1024xf32>
    %get3A_85 = arith.constant 0 : index
    %get3A_86 = arith.constant 0 : index
    %get3A_87 = vector.load %arg9[%get3A_85, %get3A_86] : memref<1x1024xf32, #tpu.memory_space<vmem>>, vector<1x1024xf32>
    %add3A_88 = vector.broadcast %get3A_87 : vector<1x1024xf32> to vector<512x1024xf32>
    %add3A_89 = arith.addf %dot_general3A_84, %add3A_88 : vector<512x1024xf32>
    %max3A = arith.constant 0.000000e+00 : f32
    %max3A_90 = vector.broadcast %max3A : f32 to vector<512x1024xf32>
    %max3A_91 = arith.maximumf %add3A_89, %max3A_90 : vector<512x1024xf32>
    %convert_element_type3A_92 = arith.truncf %max3A_91 : vector<512x1024xf32> to vector<512x1024xbf16>
    %swap3A_93 = arith.constant 0 : index
    %swap3A_94 = arith.constant 0 : index
    %swap3A_95 = vector.load %arg17[%swap3A_93, %swap3A_94] : memref<512x1024xbf16, #tpu.memory_space<vmem>>, vector<512x1024xbf16>
    tpu.vector_store %arg17[%swap3A_93, %swap3A_94], %convert_element_type3A_92 {strides = array<i32>} : memref<512x1024xbf16, #tpu.memory_space<vmem>>, vector<512x1024xbf16>,
    %get3A_96 = arith.constant 0 : index
    %get3A_97 = arith.constant 0 : index
    %get3A_98 = vector.load %arg17[%get3A_96, %get3A_97] : memref<512x1024xbf16, #tpu.memory_space<vmem>>, vector<512x1024xbf16>
    %get3A_99 = arith.constant 0 : index
    %get3A_100 = arith.constant 0 : index
    %get3A_101 = vector.load %arg10[%get3A_99, %get3A_100] : memref<1024x55xbf16, #tpu.memory_space<vmem>>, vector<1024x55xbf16>
    %dot_general3A_102 = arith.constant dense<0.000000e+00> : vector<512x55xf32>
    %dot_general3A_103 = tpu.matmul %get3A_98, %get3A_101, %dot_general3A_102 {dimension_numbers = #tpu.dot_dimension_numbers<[1], [0], [0], [1], [0, 0, 1, 1], [], []>, transpose_lhs_hint = false} : vector<512x1024xbf16>, vector<1024x55xbf16>, vector<512x55xf32> -> vector<512x55xf32>
    %get3A_104 = arith.constant 0 : index
    %get3A_105 = arith.constant 0 : index
    %get3A_106 = vector.load %arg11[%get3A_104, %get3A_105] : memref<1x55xf32, #tpu.memory_space<vmem>>, vector<1x55xf32>
    %add3A_107 = vector.broadcast %get3A_106 : vector<1x55xf32> to vector<512x55xf32>
    %add3A_108 = arith.addf %dot_general3A_103, %add3A_107 : vector<512x55xf32>
    %swap3A_109 = arith.constant 0 : index
    %swap3A_110 = arith.constant 0 : index
    %swap3A_111 = vector.load %arg13[%swap3A_109, %swap3A_110] : memref<512x55xf32, #tpu.memory_space<vmem>>, vector<512x55xf32>
    tpu.vector_store %arg13[%swap3A_109, %swap3A_110], %add3A_108 {strides = array<i32>} : memref<512x55xf32, #tpu.memory_space<vmem>>, vector<512x55xf32>,
    return
  }
  func.func @transform_0(%arg0: i32) -> (i32, i32) {
    %c0_i32 = arith.constant 0 : i32
    %c0_i32_0 = arith.constant 0 : i32
    return %arg0, %c0_i32 : i32, i32
  }
  func.func @transform_1(%arg0: i32) -> (i32, i32) {
    %c0_i32 = arith.constant 0 : i32
    %c0_i32_0 = arith.constant 0 : i32
    %c0_i32_1 = arith.constant 0 : i32
    return %c0_i32, %c0_i32_0 : i32, i32
  }
  func.func @transform_2(%arg0: i32) -> (i32, i32) {
    %c0_i32 = arith.constant 0 : i32
    %c0_i32_0 = arith.constant 0 : i32
    %c0_i32_1 = arith.constant 0 : i32
    return %c0_i32, %c0_i32_0 : i32, i32
  }
  func.func @transform_3(%arg0: i32) -> (i32, i32) {
    %c0_i32 = arith.constant 0 : i32
    %c0_i32_0 = arith.constant 0 : i32
    %c0_i32_1 = arith.constant 0 : i32
    return %c0_i32, %c0_i32_0 : i32, i32
  }
  func.func @transform_4(%arg0: i32) -> (i32, i32) {
    %c0_i32 = arith.constant 0 : i32
    %c0_i32_0 = arith.constant 0 : i32
    %c0_i32_1 = arith.constant 0 : i32
    return %c0_i32, %c0_i32_0 : i32, i32
  }
  func.func @transform_5(%arg0: i32) -> (i32, i32) {
    %c0_i32 = arith.constant 0 : i32
    %c0_i32_0 = arith.constant 0 : i32
    %c0_i32_1 = arith.constant 0 : i32
    return %c0_i32, %c0_i32_0 : i32, i32
  }
  func.func @transform_6(%arg0: i32) -> (i32, i32) {
    %c0_i32 = arith.constant 0 : i32
    %c0_i32_0 = arith.constant 0 : i32
    %c0_i32_1 = arith.constant 0 : i32
    return %c0_i32, %c0_i32_0 : i32, i32
  }
  func.func @transform_7(%arg0: i32) -> (i32, i32) {
    %c0_i32 = arith.constant 0 : i32
    %c0_i32_0 = arith.constant 0 : i32
    %c0_i32_1 = arith.constant 0 : i32
    return %c0_i32, %c0_i32_0 : i32, i32
  }
  func.func @transform_8(%arg0: i32) -> (i32, i32) {
    %c0_i32 = arith.constant 0 : i32
    %c0_i32_0 = arith.constant 0 : i32
    %c0_i32_1 = arith.constant 0 : i32
    return %c0_i32, %c0_i32_0 : i32, i32
  }
  func.func @transform_9(%arg0: i32) -> (i32, i32) {
    %c0_i32 = arith.constant 0 : i32
    %c0_i32_0 = arith.constant 0 : i32
    %c0_i32_1 = arith.constant 0 : i32
    return %c0_i32, %c0_i32_0 : i32, i32
  }
  func.func @transform_10(%arg0: i32) -> (i32, i32) {
    %c0_i32 = arith.constant 0 : i32
    %c0_i32_0 = arith.constant 0 : i32
    %c0_i32_1 = arith.constant 0 : i32
    return %c0_i32, %c0_i32_0 : i32, i32
  }
  func.func @transform_11(%arg0: i32) -> (i32, i32) {
    %add3A = arith.constant 0 : i32
    %add3A_0 = arith.addi %add3A, %arg0 : i32
    %c0_i32 = arith.constant 0 : i32
    %c0_i32_1 = arith.constant 0 : i32
    return %add3A_0, %c0_i32 : i32, i32
  }
  func.func @transform_12(%arg0: i32) -> (i32, i32) {
    %add3A = arith.constant 0 : i32
    %add3A_0 = arith.addi %add3A, %arg0 : i32
    %c0_i32 = arith.constant 0 : i32
    %c0_i32_1 = arith.constant 0 : i32
    return %add3A_0, %c0_i32 : i32, i32
  }
}

</mosaic_0001>

<sc_bundles>
// kernel: kernel.10.cloned.1.call-start
scs
__scs_entry_jumppad:
0x0: {  	(pc) =	sbr.rel $0x88, $3  }
0x1: {  	(tag) =	ssettag $0x0;
	lr =	simm.s32 $0x1  }
0x2: {  	[smem:$0x3F95] =	sst lr;
	_ =	strace $0xD0000000  }
0x3: {  	_ = 	snop  }
0x4: {  	_ = 	snop  }
0x5: {  	_ = 	snop  }
0x6: {  	_ = 	snop  }
0x7: {  	_ = 	snop  }
__scs_overlays_trampoline_lowered:
0x8: {  	[smem:$0x3FA4] =	sst s0  }
0x9: {  	[smem:$0x3FA5] =	sst s1  }
0xa: {  	[smem:$0x3FA6] =	sst s2  }
0xb: {  	[smem:$0x3FA7] =	sst s3  }
0xc: {  	[smem:$0x3FA8] =	sst s4  }
0xd: {  	[smem:$0x3FA9] =	sst s5  }
0xe: {  	[smem:$0x3FAA] =	sst s6  }
0xf: {  	[smem:$0x3FAB] =	sst s7  }
0x10: {  	[smem:$0x3FAC] =	sst s8  }
0x11: {  	[smem:$0x3FAD] =	sst s9;
	s0 =	simm.s32 @!p0 $0x0  }
0x12: {  	s1 =	sld [smem:$0x3F93];
	s0 =	simm.s32 @p0 $0x1  }
0x13: {  	[smem:$0x3FAE] =	sst s0;
	s0 =	simm.s32 @!p1 $0x0  }
0x14: {  	s2 =	sld [smem:$0x3F92];
	s0 =	simm.s32 @p1 $0x1  }
0x15: {  	[smem:$0x3FAF] =	sst s0;
	s0 =	simm.s32 @!p2 $0x0  }
0x16: {  	s3 =	sld [smem:$0x3FDB];
	s0 =	simm.s32 @p2 $0x1  }
0x17: {  	s4 =	simm.s32 $0x1BF5;
	[smem:$0x3FB1] =	sst s0  }
0x18: {  	s0 =	sld [smem:$0x3F94];
	_ =	swait.ge [sflag:s4], $0x0  }
0x19: {  	s7 =	sld [smem:$0x3F95]  }
0x1a: {  	s8 =	sadd.s32 $0xFFFFE003, lr  }
0x1b: {  	s9 =	sadd.s32 $0xFFFFFEF7, lr;
	s5 =	simm.s32 $0xFFFFFFFF;
	p2 =	slt.u32 s8, $0xFFFFF086  }
0x1c: {  	p1 =	slt.u32 s9, $0xF7A;
	s5 =	simm.s32 @!p2 $0x0  }
0x1d: {  	s5 =	simm.s32 @p1 $0x1;
	p0 =	seq.s32 s7, s2  }
0x1e: {  	s7 =	smul.u32 @!p0 $0xF7A, s2;
	p2 =	seq.s32 @!p0 s5, $0x0  }
0x1f: {  	s9 =	smul.u32 $0xF7A, s1;
	s8 =	simm.s32 @!p0 $0x1BF5;
	p2 =	por !p2, p0  }
0x20: {  	[sflag:s8] =	ssyncset.s32 @!p0 $0xFFFFF086;
	s6 =	sadd.s32 @!p0 s3, s7;
	s7 =	simm.s32 @!p0 $0x108  }
0x21: {  	s3 =	sadd.s32 s3, s9;
	s6 =	sadd.s32 @!p0 $0x88, s6;
	s7 =	simm.s32 @p2 $0x1082  }
0x22: {  	[simem:s7], [sflag:s8] =	dma.local @!p0 [hbm:s6], $0xF7A  }
0x23: {  	s9 =	sor.u32 $0xD0000000, s2;
	s6 =	simm.s32 $0x108;
	_ =	swait.ge @!p0 [sflag:s8], $0x0  }
0x24: {  	s3 =	sadd.s32 $0x88, s3;
	s6 =	simm.s32 @!p1 $0x1082;
	[sflag:s4] =	ssyncset.s32 $0xFFFFF086  }
0x25: {  	[simem:s6], [sflag:s4] =	dma.local [hbm:s3], $0xF7A  }
0x26: {  	[smem:$0x3F95] =	sst s1;
	(tag) =	ssettag s2;
	_ =	strace s9  }
0x27: {  	s1 =	sld [smem:$0x3FA5]  }
0x28: {  	s2 =	sld [smem:$0x3FA6]  }
0x29: {  	s4 =	sld [smem:$0x3FA8]  }
0x2a: {  	p0 =	seq.s32 s5, $0x0;
	s5 =	sld [smem:$0x3FA9]  }
0x2b: {  	s6 =	sld [smem:$0x3FAA]  }
0x2c: {  	s7 =	sld [smem:$0x3FAB]  }
0x2d: {  	s3 =	simm.s32 $0x108;
	s8 =	sld [smem:$0x3FAC]  }
0x2e: {  	s3 =	simm.s32 @!p0 $0x1082;
	s9 =	sld [smem:$0x3FAD]  }
0x2f: {  	lr =	sadd.s32 s0, s3;
	s0 =	sld [smem:$0x3FA4]  }
0x30: {  	s3 =	sld [smem:$0x3FA7]  }
0x31: {  	[smem:$0x3FB0] =	sst s10  }
0x32: {  	s10 =	sld [smem:$0x3FAE];
	_ =	sdelay $0x3  }
0x33: {  	p0 =	seq.s32 s10, $0x1;
	s10 =	sld [smem:$0x3FB0];
	_ =	sdelay $0x3  }
0x34: {  	[smem:$0x3FB0] =	sst s10  }
0x35: {  	s10 =	sld [smem:$0x3FAF];
	_ =	sdelay $0x3  }
0x36: {  	p1 =	seq.s32 s10, $0x1;
	s10 =	sld [smem:$0x3FB0];
	_ =	sdelay $0x3  }
0x37: {  	[smem:$0x3FB0] =	sst s10  }
0x38: {  	s10 =	sld [smem:$0x3FB1]  }
0x39: {  	_ = 	snop;
	(pc) =	sbr.ind lr, $3  }
0x3a: {  	_ = 	snop  }
0x3b: {  	_ = 	snop  }
0x3c: {  	p2 =	seq.s32 s10, $0x1;
	s10 =	sld [smem:$0x3FB0]  }
0x3d: {  	_ =	shalt  }
0x3e: {  	_ =	shalt  }
0x3f: {  	_ =	shalt  }
0x40: {  	_ =	shalt  }
0x41: {  	_ =	shalt  }
0x42: {  	_ =	shalt  }
0x43: {  	_ =	shalt  }
0x44: {  	_ =	shalt  }
0x45: {  	_ =	shalt  }
0x46: {  	_ =	shalt  }
0x47: {  	_ =	shalt  }
0x48: {  	_ =	shalt  }
0x49: {  	_ =	shalt  }
0x4a: {  	_ =	shalt  }
0x4b: {  	_ =	shalt  }
0x4c: {  	_ =	shalt  }
0x4d: {  	_ =	shalt  }
0x4e: {  	_ =	shalt  }
0x4f: {  	_ =	shalt  }
0x50: {  	_ =	shalt  }
0x51: {  	_ =	shalt  }
0x52: {  	_ =	shalt  }
0x53: {  	_ =	shalt  }
0x54: {  	_ =	shalt  }
0x55: {  	_ =	shalt  }
0x56: {  	_ =	shalt  }
0x57: {  	_ =	shalt  }
0x58: {  	_ =	shalt  }
0x59: {  	_ =	shalt  }
0x5a: {  	_ =	shalt  }
0x5b: {  	_ =	shalt  }
0x5c: {  	_ =	shalt  }
0x5d: {  	_ =	shalt  }
0x5e: {  	_ =	shalt  }
0x5f: {  	_ =	shalt  }
0x60: {  	_ =	shalt  }
0x61: {  	_ =	shalt  }
0x62: {  	_ =	shalt  }
0x63: {  	_ =	shalt  }
0x64: {  	_ =	shalt  }
0x65: {  	_ =	shalt  }
0x66: {  	_ =	shalt  }
0x67: {  	_ =	shalt  }
0x68: {  	_ =	shalt  }
0x69: {  	_ =	shalt  }
0x6a: {  	_ =	shalt  }
0x6b: {  	_ =	shalt  }
0x6c: {  	_ =	shalt  }
0x6d: {  	_ =	shalt  }
0x6e: {  	_ =	shalt  }
0x6f: {  	_ =	shalt  }
0x70: {  	_ =	shalt  }
0x71: {  	_ =	shalt  }
0x72: {  	_ =	shalt  }
0x73: {  	_ =	shalt  }
0x74: {  	_ =	shalt  }
0x75: {  	_ =	shalt  }
0x76: {  	_ =	shalt  }
0x77: {  	_ =	shalt  }
0x78: {  	_ =	shalt  }
0x79: {  	_ =	shalt  }
0x7a: {  	_ =	shalt  }
0x7b: {  	_ =	shalt  }
0x7c: {  	_ =	shalt  }
0x7d: {  	_ =	shalt  }
0x7e: {  	_ =	shalt  }
0x7f: {  	_ =	shalt  }
0x80: {  	_ =	shalt  }
0x81: {  	_ =	shalt  }
0x82: {  	_ =	shalt  }
0x83: {  	_ =	shalt  }
0x84: {  	_ =	shalt  }
0x85: {  	_ =	shalt  }
0x86: {  	_ =	shalt  }
0x87: {  	_ =	shalt  }
.Lfunc_end0:
.L_simem_size_0:
called_computation.1_lowered:
.L_overlay_start_0:
0x88: {  	s2 =	sld [smem:$0x3FD9]  }
0x89: {  	s3 =	sld [smem:$0x3FFE];
	_ =	sdelay $0x1  }
0x8a: {  	s1 =	srdreg.scid  }
0x8b: {  	s0 =	sand.u32 $0x1, s1  }
0x8c: {  	s15 =	sshll.u32 s0, $0xA;
	s2 =	sadd.s32 s3, s2  }
0x8d: {  	s2 =	sadd.s32 s2, s15  }
0x8e: {  	[smem:$0x3FBC] =	sst s2  }
0x8f: {  	_ = 	snop  }
0x90: {  	s16 =	sld [smem:$0x3FD0];
	_ =	sdelay $0x2  }
0x91: {  	s4 =	simm.s32 $0xB;
	s5 =	simm.s32 $0x10;
	s2 =	sld [smem:$0x3FC8]  }
0x92: {  	[smem:s5], [sflag:s4] =	dma.local [hbm:s16], $0x1  }
0x93: {  	_ =	swait.eq [sflag:s4], $0x1  }
0x94: {  	[sflag:s4] =	ssyncset.done $0x0  }
0x95: {  	[sflag:s4] =	ssyncadd.s32 $0xFFFFFFFF  }
0x96: {  	s17 =	sld [smem:$0x11];
	(tm) =	ssettm $0x1  }
0x97: {  	s18 =	sld [smem:$0x3FFB];
	_ =	sdelay $0x3  }
0x98: {  	_ =	strace s18  }
0x99: {  	s3 =	sld [smem:$0x3FFC];
	_ =	sdelay $0x3  }
0x9a: {  	_ =	strace s3  }
0x9b: {  	s3 =	sld [smem:$0x3FFD];
	_ =	sdelay $0x3  }
0x9c: {  	_ =	strace s3  }
0x9d: {  	_ =	strace $0x8FFFFFFF  }
0x9e: {  	s19 =	sld [smem:$0x3FDB];
	_ =	sdelay $0x1  }
0x9f: {  	s20 =	simm.s32 $_scs_section_size  }
0xa0: {  	s6 =	simm.s32 $_size__tile_overlayer_lowered;
	s7 =	simm.s32 $_tile_overlayer_lowered  }
0xa1: {  	s8 =	simm.s32 $0x1BFF;
	s21 =	sshll.u32 s7, $0x1;
	s5 =	sadd.s32 s20, s19  }
0xa2: {  	s22 =	simm.s32 $0x0;
	s6 =	sshll.u32 s6, $0x1;
	s7 =	sadd.s32 s21, s5  }
0xa3: {  	[timem:s22], [sflag:s8] =	dma.local [hbm:s7], s6  }
0xa4: {  	_ =	swait.ge [sflag:s8], s6  }
0xa5: {  	s6 =	ssub.s32 $0x0, s6;
	[sflag:s8] =	ssyncset.done $0x0  }
0xa6: {  	[sflag:s8] =	ssyncadd.s32 s6;
	_ =	sdelay $0x1  }
0xa7: {  	s23 =	simm.s32 $0x1B8B  }
0xa8: {  	_ =	swait.ge [sflag:s23], $0x1  }
0xa9: {  	[sflag:s23] =	ssyncset.done $0x0  }
0xaa: {  	[sflag:s23] =	ssyncadd.s32 $0xFFFFFFFF  }
0xab: {  	s6 =	sld [smem:$0x0]  }
0xac: {  	s7 =	sand.u32 $0xFFFFFFFE, s1  }
0xad: {  	p0 =	sne.s32 s1, s7  }
0xae: {  	s7 =	sshll.u32 @p0 s7, $0xE  }
0xaf: {  	s7 =	sadd.s32 @p0 $0x11B8D, s7;
	s8 =	sshll.u32 @p0 s6, $0x11  }
0xb0: {  	s7 =	sor.u32 @p0 s8, s7  }
0xb1: {  	[sflag:s7] =	ssyncadd.remote.s32 @p0 $0x1;
	_ =	sdelay $0x1  }
0xb2: {  	s7 =	simm.s32 @p0 $0x1B8D  }
0xb3: {  	_ =	swait.eq @p0 [sflag:s7], $0x1  }
0xb4: {  	[sflag:s7] =	ssyncadd.s32 @p0 $0xFFFFFFFF  }
0xb5: {  	s8 =	sshll.u32 @!p0 s1, $0xE  }
0xb6: {  	s8 =	sor.u32 @!p0 $0x4000, s8;
	s7 =	simm.s32 @!p0 $0x1B8D  }
0xb7: {  	s6 =	sshll.u32 @!p0 s6, $0x11;
	s8 =	sadd.s32 @!p0 $0x11B8D, s8;
	_ =	swait.eq @!p0 [sflag:s7], $0x1  }
0xb8: {  	s6 =	sor.u32 @!p0 s6, s8;
	[sflag:s7] =	ssyncadd.s32 @!p0 $0xFFFFFFFF  }
0xb9: {  	s25 =	simm.s32 $0x1B8E;
	s24 =	sld [smem:$0x3FFE];
	[sflag:s6] =	ssyncadd.remote.s32 @!p0 $0x1  }
0xba: {  	s26 =	simm.s32 $execute0_lowered;
	[smem:$0x3FD2] =	sst s25  }
0xbb: {  	s7 =	sshll.u32 s26, $0x1;
	_ =	strace $0x80000049;
	[dreg:$0x1] =	wrdreg $0xFFFFFFFF  }
0xbc: {  	s28 =	simm.s32 $_size_execute0_lowered;
	s5 =	sadd.s32 s5, s7;
	[dreg:$0x0] =	wrdreg $0x0  }
0xbd: {  	s7 =	sshll.u32 s28, $0x1;
	[dreg:$0x2] =	wrdreg s5  }
0xbe: {  	[dreg:$0x3] =	wrdreg s7  }
0xbf: {  	[dreg:$0x4] =	wrdreg $0xC0  }
0xc0: {  	_ =	task [dreg:s22], $0x5FFFF  }
0xc1: {  	[dreg:$0x1] =	wrdreg $0xFFFFFFFF  }
0xc2: {  	[dreg:$0x0] =	wrdreg $0x60  }
0xc3: {  	[dreg:$0x2] =	wrdreg s2  }
0xc4: {  	[dreg:$0x3] =	wrdreg s17  }
0xc5: {  	[dreg:$0x4] =	wrdreg s24  }
0xc6: {  	[dreg:$0x5] =	wrdreg $0xA  }
0xc7: {  	_ =	task.clear_ibuf [dreg:s22], $0x6FFFF;
	_ =	strace $0x90000049  }
0xc8: {  	s29 =	simm.s32 $0xA;
	_ =	strace $0x8000004B  }
0xc9: {  	_ =	swait.ge [sflag:s29], $0x1  }
0xca: {  	[sflag:s29] =	ssyncadd.s32 $0xFFFFFFFF  }
0xcb: {  	_ =	strace $0x9000004B  }
0xcc: {  	_ =	sfence  }
0xcd: {  	s30 =	sld [smem:$0x0];
	_ =	sdelay $0x2  }
0xce: {  	s31 =	sshll.u32 s1, $0xD;
	s1 =	sshrl.u32 s1, $0x2  }
0xcf: {  	s4 =	sand.u32 $0x4000, s31;
	s1 =	sadd.s32 s1, s30  }
0xd0: {  	s0 =	sor.u32 s4, s0;
	s1 =	sshll.u32 s1, $0x11  }
0xd1: {  	s0 =	sor.u32 s1, s0  }
0xd2: {  	s0 =	sadd.s32 $0x8F2B, s0  }
0xd3: {  	[sflag:s0] =	ssyncadd.remote.s32 $0x1  }
0xd4: {  	_ =	sfence.sel $0xFFFF  }
0xd5: {  	[dreg:$0x0] =	wrdreg $0xFFFFFFFF;
	(pc) =	sbr.abs _section_cstart, $3  }
0xd6: {  	[dreg:$0x1] =	wrdreg $0xFFFFFFFF  }
0xd7: {  	_ =	task.clear_ibuf [dreg:s22], $0x2FFFF;
	_ =	strace $0x9FFFFFFF  }
0xd8: {  	(tm) =	ssettm $0x7FFFFFFF  }
0xd9: {  	_ =	shalt  }
tec
execute0_lowered:
.L_overlay_start_1:
0x0: {  	(tag) =	ssettag $0x1  }
0x1: {  	s2 =	rddreg [dreg:$0x0]  }
0x2: {  	s0 =	rddreg [dreg:$0x1]  }
0x3: {  	s1 =	rddreg [dreg:$0x2]  }
0x4: {  	s6 =	stileid.u32;
	s3 =	srdreg.scid  }
0x5: {  	s14 =	simm.s32 $0x2;
	s26 =	simm.s32 $0x980;
	s15 =	simm.s32 $0x180  }
0x6: {  	s16 =	simm.s32 $0x1180;
	s17 =	simm.s32 $0x1980;
	s18 =	simm.s32 $0x2180  }
0x7: {  	s19 =	simm.s32 $0x2980;
	s20 =	simm.s32 $0x3180;
	s21 =	simm.s32 $0x3980  }
0x8: {  	s22 =	simm.s32 $0x4180;
	s28 =	simm.s32 $0x6980;
	s29 =	simm.s32 $0x7180  }
0x9: {  	s30 =	simm.s32 $0x7980;
	s31 =	simm.s32 $0x1;
	s4 =	sand.u32 $0x1, s3  }
0xa: {  	s5 =	sshll.u32 s6, $0x1;
	s3 =	simm.s32 $0x0;
	s6 =	smul.u32 $0x30000, s6  }
0xb: {  	s8 =	sadd.s32 $0x400, s2;
	s9 =	sadd.s32 $0x500, s2;
	s10 =	sadd.s32 $0x600, s2  }
0xc: {  	s11 =	sadd.s32 $0x700, s2;
	s5 =	sor.u32 s4, s5;
	s24 =	smul.u32 $0x18000, s4  }
0xd: {  	[smem:$0x7FF] =	sst s3;
	s7 =	ssub.s32 $0x2, s4;
	s5 =	smul.u32 $0x180, s5  }
0xe: {  	_ =	strace $0x8000004A;
	s1 =	sadd.s32 s6, s1;
	s23 =	sshrl.u32 s7, $0x1  }
0xf: {  	s6 =	sadd.s32 $0x200, s2;
	[dreg:$0x4] =	wrdreg s26;
	s26 =	simm.s32 $0x6180  }
0x10: {  	s12 =	ssub.s32 s7, s23;
	s7 =	sadd.s32 $0x300, s2;
	s5 =	sshrl.u32 s5, $0x3  }
0x11: {  	s23 =	simm.s32 $0x4980;
	s25 =	smax.u32 s12, $0x1;
	s0 =	sadd.s32 s0, s5  }
0x12: {  	v2 =	vlaneseq.u32;
	s5 =	sadd.s32 $0x100, s2;
	[dreg:$0x5] =	wrdreg s0;
	s0 =	sadd.s32 s24, s1  }
0x13: {  	vm0 =	vmmov $0xffff;
	v1 =	vshrl.u32 v2, $0x3;
	[dreg:$0x6] =	wrdreg s25;
	s25 =	simm.s32 $0x5980;
	s0 =	sadd.s32 $0x102000, s0  }
0x14: {  	v0 =	vand.u32 $0x7, v2;
	v2 =	vor.u32 $0x8, v2;
	v1 =	vmul.u32 $0x8, v1;
	s24 =	simm.s32 $0x5180;
	s1 =	simm.s32 $0x0;
	[dreg:$0x7] =	wrdreg s0  }
.LBB2_1:
0x15: {  	[dreg:$0x8] =	wrdreg s1  }
0x16: {  	s0 =	rddreg [dreg:$0x5]  }
0x17: {  	[tilespmem:s3], [sflag:$0x2] =	stream.linear.gather [hbm4b:s0+s3], $0x180, $0x38;
	[tilespmem:$0x8180] =	vst v63  }
0x18: {  	_ =	swait.ge [sflag:s14], $0x180  }
0x19: {  	[sflag:s14] =	ssyncset.done $0x0  }
0x1a: {  	s4 =	simm.s32 $0x0;
	[sflag:s14] =	ssyncadd.s32 $0xFFFFFE80  }
0x1b: {  	v3 =	vld [tilespmem:s4+$0x0];
	_ =	sdelay $0x4  }
0x1c: {  	v4 =	vshll.u32 v3, $0x4  }
0x1d: {  	v3 =	vand.u32 $0x7, v3;
	v4 =	vand.u32 $0xFFFFFF80, v4  }
0x1e: {  	v3 =	vor.u32 v3, v4  }
0x1f: {  	v4 =	vperm.xlane v3, v0;
	_ =	sdelay $0x1  }
0x20: {  	v4 =	vadd.s32 v1, v4;
	_ =	sdelay $0x4  }
0x21: {  	[tilespmem:s15], [sflag:$0x1] =	stream.indirect_vreg.gather [hbm4b:s2+s3], $0x80, v4, vm0, $0xb8;
	[tilespmem:$0x8180] =	vst v63  }
0x22: {  	s12 =	rddreg [dreg:$0x4]  }
0x23: {  	[tilespmem:s12], [sflag:$0x1] =	stream.indirect_vreg.gather [hbm4b:s5+s3], $0x80, v4, vm0, $0xb8;
	[tilespmem:$0x8180] =	vst v63  }
0x24: {  	_ = 	snop  }
0x25: {  	[tilespmem:s16], [sflag:$0x1] =	stream.indirect_vreg.gather [hbm4b:s6+s3], $0x80, v4, vm0, $0xb8;
	[tilespmem:$0x8180] =	vst v63  }
0x26: {  	_ = 	snop  }
0x27: {  	[tilespmem:s17], [sflag:$0x1] =	stream.indirect_vreg.gather [hbm4b:s7+s3], $0x80, v4, vm0, $0xb8;
	[tilespmem:$0x8180] =	vst v63  }
0x28: {  	_ = 	snop  }
0x29: {  	[tilespmem:s18], [sflag:$0x1] =	stream.indirect_vreg.gather [hbm4b:s8+s3], $0x80, v4, vm0, $0xb8;
	[tilespmem:$0x8180] =	vst v63  }
0x2a: {  	v3 =	vperm.xlane v3, v2  }
0x2b: {  	[tilespmem:s19], [sflag:$0x1] =	stream.indirect_vreg.gather [hbm4b:s9+s3], $0x80, v4, vm0, $0xb8;
	[tilespmem:$0x8180] =	vst v63  }
0x2c: {  	v3 =	vadd.s32 v1, v3  }
0x2d: {  	[tilespmem:s20], [sflag:$0x1] =	stream.indirect_vreg.gather [hbm4b:s10+s3], $0x80, v4, vm0, $0xb8;
	[tilespmem:$0x8180] =	vst v63  }
0x2e: {  	_ = 	snop  }
0x2f: {  	[tilespmem:s21], [sflag:$0x1] =	stream.indirect_vreg.gather [hbm4b:s11+s3], $0x80, v4, vm0, $0xb8;
	[tilespmem:$0x8180] =	vst v63  }
0x30: {  	_ = 	snop  }
0x31: {  	[tilespmem:s22], [sflag:$0x1] =	stream.indirect_vreg.gather [hbm4b:s2+s3], $0x80, v3, vm0, $0xb8;
	[tilespmem:$0x8180] =	vst v63  }
0x32: {  	_ = 	snop  }
0x33: {  	[tilespmem:s23], [sflag:$0x1] =	stream.indirect_vreg.gather [hbm4b:s5+s3], $0x80, v3, vm0, $0xb8;
	[tilespmem:$0x8180] =	vst v63  }
0x34: {  	_ = 	snop  }
0x35: {  	[tilespmem:s24], [sflag:$0x1] =	stream.indirect_vreg.gather [hbm4b:s6+s3], $0x80, v3, vm0, $0xb8;
	[tilespmem:$0x8180] =	vst v63  }
0x36: {  	_ = 	snop  }
0x37: {  	[tilespmem:s25], [sflag:$0x1] =	stream.indirect_vreg.gather [hbm4b:s7+s3], $0x80, v3, vm0, $0xb8;
	[tilespmem:$0x8180] =	vst v63  }
0x38: {  	_ = 	snop  }
0x39: {  	[tilespmem:s26], [sflag:$0x1] =	stream.indirect_vreg.gather [hbm4b:s8+s3], $0x80, v3, vm0, $0xb8;
	[tilespmem:$0x8180] =	vst v63  }
0x3a: {  	_ = 	snop  }
0x3b: {  	[tilespmem:s28], [sflag:$0x1] =	stream.indirect_vreg.gather [hbm4b:s9+s3], $0x80, v3, vm0, $0xb8;
	[tilespmem:$0x8180] =	vst v63  }
0x3c: {  	_ = 	snop  }
0x3d: {  	[tilespmem:s29], [sflag:$0x1] =	stream.indirect_vreg.gather [hbm4b:s10+s3], $0x80, v3, vm0, $0xb8;
	[tilespmem:$0x8180] =	vst v63  }
0x3e: {  	_ = 	snop  }
0x3f: {  	[tilespmem:s30], [sflag:$0x1] =	stream.indirect_vreg.gather [hbm4b:s11+s3], $0x80, v3, vm0, $0xb8;
	[tilespmem:$0x8180] =	vst v63  }
0x40: {  	_ =	swait.ge [sflag:s31], $0x8000  }
0x41: {  	[sflag:s31] =	ssyncset.done $0x0  }
0x42: {  	s13 =	rddreg [dreg:$0x7];
	[sflag:s31] =	ssyncadd.s32 $0xFFFF8000  }
0x43: {  	[hbm4b:s13+s3] =	stream.linear.scatter [tilespmem:s15], [sflag:$0x2], $0x8000, $0x38;
	[tilespmem:$0x8180] =	vst v63  }
0x44: {  	s4 =	simm.s32 $0x40;
	_ =	swait.ge [sflag:s14], $0x8000  }
0x45: {  	s12 =	simm.s32 $0x80;
	s1 =	sadd.s32 $0x1000, s13;
	[sflag:s14] =	ssyncset.done $0x0  }
.LBB2_2:
0x46: {  	s0 =	sshra.s32 s4, $0x2;
	[sflag:s14] =	ssyncadd.s32 $0xFFFF8000  }
0x47: {  	v3 =	vld [tilespmem:s0+$0x0];
	_ =	sdelay $0x4  }
0x48: {  	v4 =	vshll.u32 v3, $0x4  }
0x49: {  	v3 =	vand.u32 $0x7, v3;
	v4 =	vand.u32 $0xFFFFFF80, v4  }
0x4a: {  	v3 =	vor.u32 v3, v4  }
0x4b: {  	v4 =	vperm.xlane v3, v0;
	_ =	sdelay $0x1  }
0x4c: {  	v4 =	vadd.s32 v1, v4;
	_ =	sdelay $0x3  }
0x4d: {  	s4 =	smov.u32 s12  }
0x4e: {  	[tilespmem:s15], [sflag:$0x1] =	stream.indirect_vreg.gather [hbm4b:s2+s3], $0x80, v4, vm0, $0xb8;
	[tilespmem:$0x8180] =	vst v63  }
0x4f: {  	s13 =	sadd.s32 $0x40, s12;
	p0 =	sne.s32 s12, $0x5C0;
	s12 =	rddreg [dreg:$0x4]  }
0x50: {  	[tilespmem:s12], [sflag:$0x1] =	stream.indirect_vreg.gather [hbm4b:s5+s3], $0x80, v4, vm0, $0xb8;
	[tilespmem:$0x8180] =	vst v63  }
0x51: {  	_ = 	snop  }
0x52: {  	[tilespmem:s16], [sflag:$0x1] =	stream.indirect_vreg.gather [hbm4b:s6+s3], $0x80, v4, vm0, $0xb8;
	[tilespmem:$0x8180] =	vst v63  }
0x53: {  	_ = 	snop  }
0x54: {  	[tilespmem:s17], [sflag:$0x1] =	stream.indirect_vreg.gather [hbm4b:s7+s3], $0x80, v4, vm0, $0xb8;
	[tilespmem:$0x8180] =	vst v63  }
0x55: {  	_ = 	snop  }
0x56: {  	[tilespmem:s18], [sflag:$0x1] =	stream.indirect_vreg.gather [hbm4b:s8+s3], $0x80, v4, vm0, $0xb8;
	[tilespmem:$0x8180] =	vst v63  }
0x57: {  	v3 =	vperm.xlane v3, v2  }
0x58: {  	[tilespmem:s19], [sflag:$0x1] =	stream.indirect_vreg.gather [hbm4b:s9+s3], $0x80, v4, vm0, $0xb8;
	[tilespmem:$0x8180] =	vst v63  }
0x59: {  	v3 =	vadd.s32 v1, v3  }
0x5a: {  	[tilespmem:s20], [sflag:$0x1] =	stream.indirect_vreg.gather [hbm4b:s10+s3], $0x80, v4, vm0, $0xb8;
	[tilespmem:$0x8180] =	vst v63  }
0x5b: {  	_ = 	snop  }
0x5c: {  	[tilespmem:s21], [sflag:$0x1] =	stream.indirect_vreg.gather [hbm4b:s11+s3], $0x80, v4, vm0, $0xb8;
	[tilespmem:$0x8180] =	vst v63  }
0x5d: {  	_ = 	snop  }
0x5e: {  	[tilespmem:s22], [sflag:$0x1] =	stream.indirect_vreg.gather [hbm4b:s2+s3], $0x80, v3, vm0, $0xb8;
	[tilespmem:$0x8180] =	vst v63  }
0x5f: {  	_ = 	snop  }
0x60: {  	[tilespmem:s23], [sflag:$0x1] =	stream.indirect_vreg.gather [hbm4b:s5+s3], $0x80, v3, vm0, $0xb8;
	[tilespmem:$0x8180] =	vst v63  }
0x61: {  	_ = 	snop  }
0x62: {  	[tilespmem:s24], [sflag:$0x1] =	stream.indirect_vreg.gather [hbm4b:s6+s3], $0x80, v3, vm0, $0xb8;
	[tilespmem:$0x8180] =	vst v63  }
0x63: {  	_ = 	snop  }
0x64: {  	[tilespmem:s25], [sflag:$0x1] =	stream.indirect_vreg.gather [hbm4b:s7+s3], $0x80, v3, vm0, $0xb8;
	[tilespmem:$0x8180] =	vst v63  }
0x65: {  	_ = 	snop  }
0x66: {  	[tilespmem:s26], [sflag:$0x1] =	stream.indirect_vreg.gather [hbm4b:s8+s3], $0x80, v3, vm0, $0xb8;
	[tilespmem:$0x8180] =	vst v63  }
0x67: {  	_ = 	snop  }
0x68: {  	[tilespmem:s28], [sflag:$0x1] =	stream.indirect_vreg.gather [hbm4b:s9+s3], $0x80, v3, vm0, $0xb8;
	[tilespmem:$0x8180] =	vst v63  }
0x69: {  	_ = 	snop  }
0x6a: {  	[tilespmem:s29], [sflag:$0x1] =	stream.indirect_vreg.gather [hbm4b:s10+s3], $0x80, v3, vm0, $0xb8;
	[tilespmem:$0x8180] =	vst v63  }
0x6b: {  	_ = 	snop  }
0x6c: {  	[tilespmem:s30], [sflag:$0x1] =	stream.indirect_vreg.gather [hbm4b:s11+s3], $0x80, v3, vm0, $0xb8;
	[tilespmem:$0x8180] =	vst v63  }
0x6d: {  	_ =	swait.ge [sflag:s31], $0x8000  }
.Ltmp0:
0x6e: {  	[sflag:s31] =	ssyncset.done $0x0;
	(pc) =	sbr.rel @p0 .LBB2_2-.Ltmp0, $4  }
0x6f: {  	[sflag:s31] =	ssyncadd.s32 $0xFFFF8000  }
0x70: {  	[hbm4b:s1+s3] =	stream.linear.scatter [tilespmem:s15], [sflag:$0x2], $0x8000, $0x38;
	[tilespmem:$0x8180] =	vst v63  }
0x71: {  	_ =	swait.ge [sflag:s14], $0x8000  }
0x72: {  	s12 =	smov.u32 s13;
	s1 =	sadd.s32 $0x1000, s1;
	[sflag:s14] =	ssyncset.done $0x0  }
0x73: {  	s0 =	sshra.s32 s4, $0x2;
	[sflag:s14] =	ssyncadd.s32 $0xFFFF8000  }
0x74: {  	v3 =	vld [tilespmem:s0+$0x0];
	_ =	sdelay $0x4  }
0x75: {  	v4 =	vshll.u32 v3, $0x4  }
0x76: {  	v3 =	vand.u32 $0x7, v3;
	v4 =	vand.u32 $0xFFFFFF80, v4  }
0x77: {  	v3 =	vor.u32 v3, v4  }
0x78: {  	v4 =	vperm.xlane v3, v0;
	_ =	sdelay $0x1  }
0x79: {  	v4 =	vadd.s32 v1, v4;
	_ =	sdelay $0x4  }
0x7a: {  	[tilespmem:s15], [sflag:$0x1] =	stream.indirect_vreg.gather [hbm4b:s2+s3], $0x80, v4, vm0, $0xb8;
	[tilespmem:$0x8180] =	vst v63  }
0x7b: {  	s4 =	rddreg [dreg:$0x4]  }
0x7c: {  	[tilespmem:s4], [sflag:$0x1] =	stream.indirect_vreg.gather [hbm4b:s5+s3], $0x80, v4, vm0, $0xb8;
	[tilespmem:$0x8180] =	vst v63  }
0x7d: {  	_ = 	snop  }
0x7e: {  	[tilespmem:s16], [sflag:$0x1] =	stream.indirect_vreg.gather [hbm4b:s6+s3], $0x80, v4, vm0, $0xb8;
	[tilespmem:$0x8180] =	vst v63  }
0x7f: {  	_ = 	snop  }
0x80: {  	[tilespmem:s17], [sflag:$0x1] =	stream.indirect_vreg.gather [hbm4b:s7+s3], $0x80, v4, vm0, $0xb8;
	[tilespmem:$0x8180] =	vst v63  }
0x81: {  	_ = 	snop  }
0x82: {  	[tilespmem:s18], [sflag:$0x1] =	stream.indirect_vreg.gather [hbm4b:s8+s3], $0x80, v4, vm0, $0xb8;
	[tilespmem:$0x8180] =	vst v63  }
0x83: {  	v3 =	vperm.xlane v3, v2  }
0x84: {  	[tilespmem:s19], [sflag:$0x1] =	stream.indirect_vreg.gather [hbm4b:s9+s3], $0x80, v4, vm0, $0xb8;
	[tilespmem:$0x8180] =	vst v63  }
0x85: {  	v3 =	vadd.s32 v1, v3  }
0x86: {  	[tilespmem:s20], [sflag:$0x1] =	stream.indirect_vreg.gather [hbm4b:s10+s3], $0x80, v4, vm0, $0xb8;
	[tilespmem:$0x8180] =	vst v63  }
0x87: {  	_ = 	snop  }
0x88: {  	[tilespmem:s21], [sflag:$0x1] =	stream.indirect_vreg.gather [hbm4b:s11+s3], $0x80, v4, vm0, $0xb8;
	[tilespmem:$0x8180] =	vst v63  }
0x89: {  	_ = 	snop  }
0x8a: {  	[tilespmem:s22], [sflag:$0x1] =	stream.indirect_vreg.gather [hbm4b:s2+s3], $0x80, v3, vm0, $0xb8;
	[tilespmem:$0x8180] =	vst v63  }
0x8b: {  	_ = 	snop  }
0x8c: {  	[tilespmem:s23], [sflag:$0x1] =	stream.indirect_vreg.gather [hbm4b:s5+s3], $0x80, v3, vm0, $0xb8;
	[tilespmem:$0x8180] =	vst v63  }
0x8d: {  	_ = 	snop  }
0x8e: {  	[tilespmem:s24], [sflag:$0x1] =	stream.indirect_vreg.gather [hbm4b:s6+s3], $0x80, v3, vm0, $0xb8;
	[tilespmem:$0x8180] =	vst v63  }
0x8f: {  	_ = 	snop  }
0x90: {  	[tilespmem:s25], [sflag:$0x1] =	stream.indirect_vreg.gather [hbm4b:s7+s3], $0x80, v3, vm0, $0xb8;
	[tilespmem:$0x8180] =	vst v63  }
0x91: {  	_ = 	snop  }
0x92: {  	[tilespmem:s26], [sflag:$0x1] =	stream.indirect_vreg.gather [hbm4b:s8+s3], $0x80, v3, vm0, $0xb8;
	[tilespmem:$0x8180] =	vst v63  }
0x93: {  	_ = 	snop  }
0x94: {  	[tilespmem:s28], [sflag:$0x1] =	stream.indirect_vreg.gather [hbm4b:s9+s3], $0x80, v3, vm0, $0xb8;
	[tilespmem:$0x8180] =	vst v63  }
0x95: {  	_ = 	snop  }
0x96: {  	[tilespmem:s29], [sflag:$0x1] =	stream.indirect_vreg.gather [hbm4b:s10+s3], $0x80, v3, vm0, $0xb8;
	[tilespmem:$0x8180] =	vst v63  }
0x97: {  	_ = 	snop  }
0x98: {  	[tilespmem:s30], [sflag:$0x1] =	stream.indirect_vreg.gather [hbm4b:s11+s3], $0x80, v3, vm0, $0xb8;
	[tilespmem:$0x8180] =	vst v63  }
0x99: {  	_ =	swait.ge [sflag:s31], $0x8000  }
0x9a: {  	[sflag:s31] =	ssyncset.done $0x0  }
0x9b: {  	[sflag:s31] =	ssyncadd.s32 $0xFFFF8000  }
0x9c: {  	[hbm4b:s1+s3] =	stream.linear.scatter [tilespmem:s15], [sflag:$0x2], $0x8000, $0x38;
	[tilespmem:$0x8180] =	vst v63  }
0x9d: {  	_ =	swait.ge [sflag:s14], $0x8000  }
0x9e: {  	s12 =	rddreg [dreg:$0x8]  }
0x9f: {  	s13 =	rddreg [dreg:$0x6];
	s1 =	sadd.s32 $0x1, s12  }
0xa0: {  	p0 =	sne.s32 s1, s13  }
.Ltmp1:
0xa1: {  	_ = 	snop;
	(pc) =	sbr.rel @p0 .LBB2_1-.Ltmp1, $3  }
0xa2: {  	_ =	sdelay $0x1  }
0xa3: {  	[sflag:s14] =	ssyncset.done $0x0  }
0xa4: {  	[sflag:s14] =	ssyncadd.s32 $0xFFFF8000  }
0xa5: {  	_ =	sfence.sel $0x180000  }
0xa6: {  	[bflag:$0x0] =	sbarrier.arrive $0xFFFF  }
0xa7: {  	_ =	strace $0x9000004A  }
0xa8: {  	s0 =	stileid.u32;
	[bflag:$0x2] =	sbarrier.arrive $0xFFFF  }
0xa9: {  	p0 =	sne.s32 s0, $0x0;
	s0 =	rddreg [dreg:$0x3]  }
0xaa: {  	s0 =	sadd.s32 @!p0 $0x100000, s0  }
0xab: {  	[sflag:s0] =	ssyncadd.tile.s32 @!p0 $0x1;
	_ =	shalt  }
.Lfunc_end2:
_tile_overlayer_lowered:
.L_overlay_start_2:
0xac: {  	(tag) =	ssettag $0x2  }
0xad: {  	s0 =	rddreg [dreg:$0x0];
	s2 =	stileid.u32  }
0xae: {  	s1 =	rddreg [dreg:$0x1];
	p0 =	sne.s32 s2, $0x0  }
0xaf: {  	s3 =	rddreg [dreg:$0x2];
	[bflag:$0x3] =	sbarrier.arrive $0xFFFF;
	s2 =	simm.s32 @!p0 $0x1C02  }
0xb0: {  	[timem:s3], [sflag:s2] =	dma.local @!p0 [hbm:s0], s1  }
0xb1: {  	s0 =	simm.s32 @!p0 $0x2  }
0xb2: {  	_ =	swait.ge @!p0 [sflag:s0], s1  }
0xb3: {  	s1 =	ssub.s32 @!p0 $0x0, s1;
	[sflag:s0] =	ssyncset.done @!p0 $0x0  }
0xb4: {  	[sflag:s0] =	ssyncadd.s32 @!p0 s1  }
0xb5: {  	[bflag:$0x3] =	sbarrier.arrive $0xFFFF  }
0xb6: {  	_ =	shalt  }

// kernel: kernel.7.cloned.1.call-start
scs
__scs_entry_jumppad:
0x0: {  	(pc) =	sbr.rel $0x88, $3  }
0x1: {  	(tag) =	ssettag $0x0;
	lr =	simm.s32 $0x1  }
0x2: {  	[smem:$0x3F95] =	sst lr;
	_ =	strace $0xD0000000  }
0x3: {  	_ = 	snop  }
0x4: {  	_ = 	snop  }
0x5: {  	_ = 	snop  }
0x6: {  	_ = 	snop  }
0x7: {  	_ = 	snop  }
__scs_overlays_trampoline_lowered:
0x8: {  	[smem:$0x3FA4] =	sst s0  }
0x9: {  	[smem:$0x3FA5] =	sst s1  }
0xa: {  	[smem:$0x3FA6] =	sst s2  }
0xb: {  	[smem:$0x3FA7] =	sst s3  }
0xc: {  	[smem:$0x3FA8] =	sst s4  }
0xd: {  	[smem:$0x3FA9] =	sst s5  }
0xe: {  	[smem:$0x3FAA] =	sst s6  }
0xf: {  	[smem:$0x3FAB] =	sst s7  }
0x10: {  	[smem:$0x3FAC] =	sst s8  }
0x11: {  	[smem:$0x3FAD] =	sst s9;
	s0 =	simm.s32 @!p0 $0x0  }
0x12: {  	s1 =	sld [smem:$0x3F93];
	s0 =	simm.s32 @p0 $0x1  }
0x13: {  	[smem:$0x3FAE] =	sst s0;
	s0 =	simm.s32 @!p1 $0x0  }
0x14: {  	s2 =	sld [smem:$0x3F92];
	s0 =	simm.s32 @p1 $0x1  }
0x15: {  	[smem:$0x3FAF] =	sst s0;
	s0 =	simm.s32 @!p2 $0x0  }
0x16: {  	s3 =	sld [smem:$0x3FDB];
	s0 =	simm.s32 @p2 $0x1  }
0x17: {  	s4 =	simm.s32 $0x1BF5;
	[smem:$0x3FB1] =	sst s0  }
0x18: {  	s0 =	sld [smem:$0x3F94];
	_ =	swait.ge [sflag:s4], $0x0  }
0x19: {  	s7 =	sld [smem:$0x3F95]  }
0x1a: {  	s8 =	sadd.s32 $0xFFFFE003, lr  }
0x1b: {  	s9 =	sadd.s32 $0xFFFFFEF7, lr;
	s5 =	simm.s32 $0xFFFFFFFF;
	p2 =	slt.u32 s8, $0xFFFFF086  }
0x1c: {  	p1 =	slt.u32 s9, $0xF7A;
	s5 =	simm.s32 @!p2 $0x0  }
0x1d: {  	s5 =	simm.s32 @p1 $0x1;
	p0 =	seq.s32 s7, s2  }
0x1e: {  	s7 =	smul.u32 @!p0 $0xF7A, s2;
	p2 =	seq.s32 @!p0 s5, $0x0  }
0x1f: {  	s9 =	smul.u32 $0xF7A, s1;
	s8 =	simm.s32 @!p0 $0x1BF5;
	p2 =	por !p2, p0  }
0x20: {  	[sflag:s8] =	ssyncset.s32 @!p0 $0xFFFFF086;
	s6 =	sadd.s32 @!p0 s3, s7;
	s7 =	simm.s32 @!p0 $0x108  }
0x21: {  	s3 =	sadd.s32 s3, s9;
	s6 =	sadd.s32 @!p0 $0x88, s6;
	s7 =	simm.s32 @p2 $0x1082  }
0x22: {  	[simem:s7], [sflag:s8] =	dma.local @!p0 [hbm:s6], $0xF7A  }
0x23: {  	s9 =	sor.u32 $0xD0000000, s2;
	s6 =	simm.s32 $0x108;
	_ =	swait.ge @!p0 [sflag:s8], $0x0  }
0x24: {  	s3 =	sadd.s32 $0x88, s3;
	s6 =	simm.s32 @!p1 $0x1082;
	[sflag:s4] =	ssyncset.s32 $0xFFFFF086  }
0x25: {  	[simem:s6], [sflag:s4] =	dma.local [hbm:s3], $0xF7A  }
0x26: {  	[smem:$0x3F95] =	sst s1;
	(tag) =	ssettag s2;
	_ =	strace s9  }
0x27: {  	s1 =	sld [smem:$0x3FA5]  }
0x28: {  	s2 =	sld [smem:$0x3FA6]  }
0x29: {  	s4 =	sld [smem:$0x3FA8]  }
0x2a: {  	p0 =	seq.s32 s5, $0x0;
	s5 =	sld [smem:$0x3FA9]  }
0x2b: {  	s6 =	sld [smem:$0x3FAA]  }
0x2c: {  	s7 =	sld [smem:$0x3FAB]  }
0x2d: {  	s3 =	simm.s32 $0x108;
	s8 =	sld [smem:$0x3FAC]  }
0x2e: {  	s3 =	simm.s32 @!p0 $0x1082;
	s9 =	sld [smem:$0x3FAD]  }
0x2f: {  	lr =	sadd.s32 s0, s3;
	s0 =	sld [smem:$0x3FA4]  }
0x30: {  	s3 =	sld [smem:$0x3FA7]  }
0x31: {  	[smem:$0x3FB0] =	sst s10  }
0x32: {  	s10 =	sld [smem:$0x3FAE];
	_ =	sdelay $0x3  }
0x33: {  	p0 =	seq.s32 s10, $0x1;
	s10 =	sld [smem:$0x3FB0];
	_ =	sdelay $0x3  }
0x34: {  	[smem:$0x3FB0] =	sst s10  }
0x35: {  	s10 =	sld [smem:$0x3FAF];
	_ =	sdelay $0x3  }
0x36: {  	p1 =	seq.s32 s10, $0x1;
	s10 =	sld [smem:$0x3FB0];
	_ =	sdelay $0x3  }
0x37: {  	[smem:$0x3FB0] =	sst s10  }
0x38: {  	s10 =	sld [smem:$0x3FB1]  }
0x39: {  	_ = 	snop;
	(pc) =	sbr.ind lr, $3  }
0x3a: {  	_ = 	snop  }
0x3b: {  	_ = 	snop  }
0x3c: {  	p2 =	seq.s32 s10, $0x1;
	s10 =	sld [smem:$0x3FB0]  }
0x3d: {  	_ =	shalt  }
0x3e: {  	_ =	shalt  }
0x3f: {  	_ =	shalt  }
0x40: {  	_ =	shalt  }
0x41: {  	_ =	shalt  }
0x42: {  	_ =	shalt  }
0x43: {  	_ =	shalt  }
0x44: {  	_ =	shalt  }
0x45: {  	_ =	shalt  }
0x46: {  	_ =	shalt  }
0x47: {  	_ =	shalt  }
0x48: {  	_ =	shalt  }
0x49: {  	_ =	shalt  }
0x4a: {  	_ =	shalt  }
0x4b: {  	_ =	shalt  }
0x4c: {  	_ =	shalt  }
0x4d: {  	_ =	shalt  }
0x4e: {  	_ =	shalt  }
0x4f: {  	_ =	shalt  }
0x50: {  	_ =	shalt  }
0x51: {  	_ =	shalt  }
0x52: {  	_ =	shalt  }
0x53: {  	_ =	shalt  }
0x54: {  	_ =	shalt  }
0x55: {  	_ =	shalt  }
0x56: {  	_ =	shalt  }
0x57: {  	_ =	shalt  }
0x58: {  	_ =	shalt  }
0x59: {  	_ =	shalt  }
0x5a: {  	_ =	shalt  }
0x5b: {  	_ =	shalt  }
0x5c: {  	_ =	shalt  }
0x5d: {  	_ =	shalt  }
0x5e: {  	_ =	shalt  }
0x5f: {  	_ =	shalt  }
0x60: {  	_ =	shalt  }
0x61: {  	_ =	shalt  }
0x62: {  	_ =	shalt  }
0x63: {  	_ =	shalt  }
0x64: {  	_ =	shalt  }
0x65: {  	_ =	shalt  }
0x66: {  	_ =	shalt  }
0x67: {  	_ =	shalt  }
0x68: {  	_ =	shalt  }
0x69: {  	_ =	shalt  }
0x6a: {  	_ =	shalt  }
0x6b: {  	_ =	shalt  }
0x6c: {  	_ =	shalt  }
0x6d: {  	_ =	shalt  }
0x6e: {  	_ =	shalt  }
0x6f: {  	_ =	shalt  }
0x70: {  	_ =	shalt  }
0x71: {  	_ =	shalt  }
0x72: {  	_ =	shalt  }
0x73: {  	_ =	shalt  }
0x74: {  	_ =	shalt  }
0x75: {  	_ =	shalt  }
0x76: {  	_ =	shalt  }
0x77: {  	_ =	shalt  }
0x78: {  	_ =	shalt  }
0x79: {  	_ =	shalt  }
0x7a: {  	_ =	shalt  }
0x7b: {  	_ =	shalt  }
0x7c: {  	_ =	shalt  }
0x7d: {  	_ =	shalt  }
0x7e: {  	_ =	shalt  }
0x7f: {  	_ =	shalt  }
0x80: {  	_ =	shalt  }
0x81: {  	_ =	shalt  }
0x82: {  	_ =	shalt  }
0x83: {  	_ =	shalt  }
0x84: {  	_ =	shalt  }
0x85: {  	_ =	shalt  }
0x86: {  	_ =	shalt  }
0x87: {  	_ =	shalt  }
.Lfunc_end0:
.L_simem_size_0:
called_computation_lowered:
.L_overlay_start_0:
0x88: {  	s2 =	sld [smem:$0x3FD9]  }
0x89: {  	s3 =	sld [smem:$0x3FFE];
	_ =	sdelay $0x1  }
0x8a: {  	s1 =	srdreg.scid  }
0x8b: {  	s0 =	sand.u32 $0x1, s1  }
0x8c: {  	s14 =	sshll.u32 s0, $0xA;
	s2 =	sadd.s32 s3, s2  }
0x8d: {  	s2 =	sadd.s32 s2, s14  }
0x8e: {  	[smem:$0x3FBC] =	sst s2  }
0x8f: {  	_ = 	snop  }
0x90: {  	s2 =	sld [smem:$0x3FD0];
	_ =	sdelay $0x2  }
0x91: {  	s4 =	simm.s32 $0xB;
	s5 =	simm.s32 $0x10;
	s15 =	sld [smem:$0x3FC8]  }
0x92: {  	[smem:s5], [sflag:s4] =	dma.local [hbm:s2], $0x1  }
0x93: {  	_ =	swait.eq [sflag:s4], $0x1  }
0x94: {  	[sflag:s4] =	ssyncset.done $0x0  }
0x95: {  	[sflag:s4] =	ssyncadd.s32 $0xFFFFFFFF  }
0x96: {  	s16 =	sld [smem:$0x10];
	(tm) =	ssettm $0x1  }
0x97: {  	s17 =	sld [smem:$0x3FFB];
	_ =	sdelay $0x3  }
0x98: {  	_ =	strace s17  }
0x99: {  	s4 =	sld [smem:$0x3FFC];
	_ =	sdelay $0x3  }
0x9a: {  	_ =	strace s4  }
0x9b: {  	s4 =	sld [smem:$0x3FFD];
	_ =	sdelay $0x3  }
0x9c: {  	_ =	strace s4  }
0x9d: {  	_ =	strace $0x8FFFFFFF  }
0x9e: {  	s18 =	sld [smem:$0x3FDB];
	_ =	sdelay $0x1  }
0x9f: {  	s19 =	simm.s32 $_scs_section_size  }
0xa0: {  	s6 =	simm.s32 $_size__tile_overlayer_lowered;
	s7 =	simm.s32 $_tile_overlayer_lowered  }
0xa1: {  	s22 =	simm.s32 $0x1BFF;
	s21 =	sshll.u32 s7, $0x1;
	s4 =	sadd.s32 s19, s18  }
0xa2: {  	s8 =	simm.s32 $0x0;
	s20 =	sshll.u32 s6, $0x1;
	s6 =	sadd.s32 s21, s4  }
0xa3: {  	[timem:s8], [sflag:s22] =	dma.local [hbm:s6], s20  }
0xa4: {  	_ =	swait.ge [sflag:s22], s20  }
0xa5: {  	s5 =	ssub.s32 $0x0, s20;
	[sflag:s22] =	ssyncset.done $0x0  }
0xa6: {  	[sflag:s22] =	ssyncadd.s32 s5;
	_ =	sdelay $0x1  }
0xa7: {  	s23 =	simm.s32 $0x1B8B  }
0xa8: {  	_ =	swait.ge [sflag:s23], $0x1  }
0xa9: {  	[sflag:s23] =	ssyncset.done $0x0  }
0xaa: {  	s25 =	simm.s32 $0x1B8E;
	s24 =	sld [smem:$0x3FFE];
	[sflag:s23] =	ssyncadd.s32 $0xFFFFFFFF  }
0xab: {  	s26 =	simm.s32 $execute0_lowered;
	[smem:$0x3FD2] =	sst s25  }
0xac: {  	s6 =	sshll.u32 s26, $0x1;
	_ =	strace $0x80000046;
	[dreg:$0x1] =	wrdreg $0xFFFFFFFF  }
0xad: {  	s28 =	simm.s32 $_size_execute0_lowered;
	s4 =	sadd.s32 s4, s6;
	[dreg:$0x0] =	wrdreg $0x0  }
0xae: {  	s6 =	sshll.u32 s28, $0x1;
	[dreg:$0x2] =	wrdreg s4  }
0xaf: {  	[dreg:$0x3] =	wrdreg s6  }
0xb0: {  	[dreg:$0x4] =	wrdreg $0xC0  }
0xb1: {  	_ =	task [dreg:s8], $0x5FFFF  }
0xb2: {  	[dreg:$0x1] =	wrdreg $0xFFFFFFFF  }
0xb3: {  	[dreg:$0x0] =	wrdreg $0x60  }
0xb4: {  	[dreg:$0x2] =	wrdreg s15  }
0xb5: {  	[dreg:$0x3] =	wrdreg s16  }
0xb6: {  	[dreg:$0x4] =	wrdreg s24  }
0xb7: {  	[dreg:$0x5] =	wrdreg $0x9  }
0xb8: {  	_ =	task.clear_ibuf [dreg:s8], $0x6FFFF;
	_ =	strace $0x90000046  }
0xb9: {  	s29 =	simm.s32 $0x9;
	_ =	strace $0x80000048  }
0xba: {  	_ =	swait.ge [sflag:s29], $0x1  }
0xbb: {  	[sflag:s29] =	ssyncadd.s32 $0xFFFFFFFF  }
0xbc: {  	_ =	strace $0x90000048  }
0xbd: {  	_ =	sfence  }
0xbe: {  	s30 =	sld [smem:$0x0];
	_ =	sdelay $0x2  }
0xbf: {  	s31 =	sshll.u32 s1, $0xD;
	s1 =	sshrl.u32 s1, $0x2  }
0xc0: {  	s3 =	sand.u32 $0x4000, s31;
	s1 =	sadd.s32 s1, s30  }
0xc1: {  	s0 =	sor.u32 s3, s0;
	s1 =	sshll.u32 s1, $0x11  }
0xc2: {  	s0 =	sor.u32 s1, s0  }
0xc3: {  	s0 =	sadd.s32 $0x8F2B, s0  }
0xc4: {  	[sflag:s0] =	ssyncadd.remote.s32 $0x1  }
0xc5: {  	_ =	sfence.sel $0xFFFF  }
0xc6: {  	[dreg:$0x0] =	wrdreg $0xFFFFFFFF;
	(pc) =	sbr.abs _section_cstart, $3  }
0xc7: {  	[dreg:$0x1] =	wrdreg $0xFFFFFFFF  }
0xc8: {  	_ =	task.clear_ibuf [dreg:s8], $0x2FFFF;
	_ =	strace $0x9FFFFFFF  }
0xc9: {  	(tm) =	ssettm $0x7FFFFFFF  }
tec
execute0_lowered:
.L_overlay_start_1:
0x0: {  	(tag) =	ssettag $0x1  }
0x1: {  	s1 =	rddreg [dreg:$0x0]  }
0x2: {  	s0 =	rddreg [dreg:$0x1]  }
0x3: {  	s2 =	rddreg [dreg:$0x2];
	s3 =	simm.s32 $0x0;
	s4 =	srdreg.scid  }
0x4: {  	s7 =	stileid.u32;
	s14 =	simm.s32 $0x2;
	s26 =	simm.s32 $0x880  }
0x5: {  	s15 =	simm.s32 $0x80;
	s16 =	simm.s32 $0x1080;
	s17 =	simm.s32 $0x1880  }
0x6: {  	s18 =	simm.s32 $0x2080;
	s19 =	simm.s32 $0x2880;
	s20 =	simm.s32 $0x3080  }
0x7: {  	s21 =	simm.s32 $0x3880;
	s22 =	simm.s32 $0x4080;
	s28 =	simm.s32 $0x6880  }
0x8: {  	s29 =	simm.s32 $0x7080;
	s30 =	simm.s32 $0x7880;
	s31 =	simm.s32 $0x1  }
0x9: {  	[smem:$0x7FF] =	sst s3;
	s4 =	sand.u32 $0x1, s4;
	s5 =	sshll.u32 s7, $0x8  }
0xa: {  	s7 =	sshll.u32 s7, $0x10;
	s9 =	sadd.s32 $0x500, s1;
	s10 =	sadd.s32 $0x600, s1  }
0xb: {  	s11 =	sadd.s32 $0x700, s1;
	_ =	strace $0x80000047;
	s6 =	sshll.u32 s4, $0x7  }
0xc: {  	s8 =	ssub.s32 $0x2, s4;
	s2 =	sadd.s32 s7, s2;
	s7 =	sadd.s32 $0x300, s1  }
0xd: {  	s24 =	sshll.u32 s4, $0xF;
	[dreg:$0x4] =	wrdreg s26;
	s26 =	simm.s32 $0x6080  }
0xe: {  	s5 =	sor.u32 s6, s5;
	s23 =	sshrl.u32 s8, $0x1;
	s6 =	sadd.s32 $0x200, s1  }
0xf: {  	s5 =	sshrl.u32 s5, $0x3;
	s12 =	ssub.s32 s8, s23;
	s8 =	sadd.s32 $0x400, s1  }
0x10: {  	s23 =	simm.s32 $0x4880;
	s0 =	sadd.s32 s0, s5;
	s5 =	sadd.s32 $0x100, s1  }
0x11: {  	v2 =	vlaneseq.u32;
	s25 =	smax.u32 s12, $0x1;
	[dreg:$0x5] =	wrdreg s0;
	s0 =	sadd.s32 s24, s2  }
0x12: {  	vm0 =	vmmov $0xffff;
	v1 =	vshrl.u32 v2, $0x3;
	[dreg:$0x6] =	wrdreg s25;
	s24 =	simm.s32 $0x5080;
	s0 =	sadd.s32 $0x2000, s0  }
0x13: {  	v0 =	vand.u32 $0x7, v2;
	v2 =	vor.u32 $0x8, v2;
	v1 =	vmul.u32 $0x8, v1;
	s25 =	simm.s32 $0x5880;
	s2 =	simm.s32 $0x0;
	[dreg:$0x7] =	wrdreg s0  }
.LBB2_1:
0x14: {  	[dreg:$0x8] =	wrdreg s2  }
0x15: {  	s0 =	rddreg [dreg:$0x5]  }
0x16: {  	[tilespmem:s3], [sflag:$0x2] =	stream.linear.gather [hbm4b:s0+s3], $0x80, $0x38;
	[tilespmem:$0x8080] =	vst v63  }
0x17: {  	_ =	swait.ge [sflag:s14], $0x80  }
0x18: {  	[sflag:s14] =	ssyncset.done $0x0  }
0x19: {  	s4 =	simm.s32 $0x0;
	[sflag:s14] =	ssyncadd.s32 $0xFFFFFF80  }
0x1a: {  	v3 =	vld [tilespmem:s4+$0x0];
	_ =	sdelay $0x4  }
0x1b: {  	v4 =	vshll.u32 v3, $0x4  }
0x1c: {  	v3 =	vand.u32 $0x7, v3;
	v4 =	vand.u32 $0xFFFFFF80, v4  }
0x1d: {  	v3 =	vor.u32 v3, v4  }
0x1e: {  	v4 =	vperm.xlane v3, v0;
	_ =	sdelay $0x1  }
0x1f: {  	v4 =	vadd.s32 v1, v4;
	_ =	sdelay $0x4  }
0x20: {  	[tilespmem:s15], [sflag:$0x1] =	stream.indirect_vreg.gather [hbm4b:s1+s3], $0x80, v4, vm0, $0xb8;
	[tilespmem:$0x8080] =	vst v63  }
0x21: {  	s12 =	rddreg [dreg:$0x4]  }
0x22: {  	[tilespmem:s12], [sflag:$0x1] =	stream.indirect_vreg.gather [hbm4b:s5+s3], $0x80, v4, vm0, $0xb8;
	[tilespmem:$0x8080] =	vst v63  }
0x23: {  	_ = 	snop  }
0x24: {  	[tilespmem:s16], [sflag:$0x1] =	stream.indirect_vreg.gather [hbm4b:s6+s3], $0x80, v4, vm0, $0xb8;
	[tilespmem:$0x8080] =	vst v63  }
0x25: {  	_ = 	snop  }
0x26: {  	[tilespmem:s17], [sflag:$0x1] =	stream.indirect_vreg.gather [hbm4b:s7+s3], $0x80, v4, vm0, $0xb8;
	[tilespmem:$0x8080] =	vst v63  }
0x27: {  	_ = 	snop  }
0x28: {  	[tilespmem:s18], [sflag:$0x1] =	stream.indirect_vreg.gather [hbm4b:s8+s3], $0x80, v4, vm0, $0xb8;
	[tilespmem:$0x8080] =	vst v63  }
0x29: {  	v3 =	vperm.xlane v3, v2  }
0x2a: {  	[tilespmem:s19], [sflag:$0x1] =	stream.indirect_vreg.gather [hbm4b:s9+s3], $0x80, v4, vm0, $0xb8;
	[tilespmem:$0x8080] =	vst v63  }
0x2b: {  	v3 =	vadd.s32 v1, v3  }
0x2c: {  	[tilespmem:s20], [sflag:$0x1] =	stream.indirect_vreg.gather [hbm4b:s10+s3], $0x80, v4, vm0, $0xb8;
	[tilespmem:$0x8080] =	vst v63  }
0x2d: {  	_ = 	snop  }
0x2e: {  	[tilespmem:s21], [sflag:$0x1] =	stream.indirect_vreg.gather [hbm4b:s11+s3], $0x80, v4, vm0, $0xb8;
	[tilespmem:$0x8080] =	vst v63  }
0x2f: {  	_ = 	snop  }
0x30: {  	[tilespmem:s22], [sflag:$0x1] =	stream.indirect_vreg.gather [hbm4b:s1+s3], $0x80, v3, vm0, $0xb8;
	[tilespmem:$0x8080] =	vst v63  }
0x31: {  	_ = 	snop  }
0x32: {  	[tilespmem:s23], [sflag:$0x1] =	stream.indirect_vreg.gather [hbm4b:s5+s3], $0x80, v3, vm0, $0xb8;
	[tilespmem:$0x8080] =	vst v63  }
0x33: {  	_ = 	snop  }
0x34: {  	[tilespmem:s24], [sflag:$0x1] =	stream.indirect_vreg.gather [hbm4b:s6+s3], $0x80, v3, vm0, $0xb8;
	[tilespmem:$0x8080] =	vst v63  }
0x35: {  	_ = 	snop  }
0x36: {  	[tilespmem:s25], [sflag:$0x1] =	stream.indirect_vreg.gather [hbm4b:s7+s3], $0x80, v3, vm0, $0xb8;
	[tilespmem:$0x8080] =	vst v63  }
0x37: {  	_ = 	snop  }
0x38: {  	[tilespmem:s26], [sflag:$0x1] =	stream.indirect_vreg.gather [hbm4b:s8+s3], $0x80, v3, vm0, $0xb8;
	[tilespmem:$0x8080] =	vst v63  }
0x39: {  	_ = 	snop  }
0x3a: {  	[tilespmem:s28], [sflag:$0x1] =	stream.indirect_vreg.gather [hbm4b:s9+s3], $0x80, v3, vm0, $0xb8;
	[tilespmem:$0x8080] =	vst v63  }
0x3b: {  	_ = 	snop  }
0x3c: {  	[tilespmem:s29], [sflag:$0x1] =	stream.indirect_vreg.gather [hbm4b:s10+s3], $0x80, v3, vm0, $0xb8;
	[tilespmem:$0x8080] =	vst v63  }
0x3d: {  	_ = 	snop  }
0x3e: {  	[tilespmem:s30], [sflag:$0x1] =	stream.indirect_vreg.gather [hbm4b:s11+s3], $0x80, v3, vm0, $0xb8;
	[tilespmem:$0x8080] =	vst v63  }
0x3f: {  	_ =	swait.ge [sflag:s31], $0x8000  }
0x40: {  	[sflag:s31] =	ssyncset.done $0x0  }
0x41: {  	s13 =	rddreg [dreg:$0x7];
	[sflag:s31] =	ssyncadd.s32 $0xFFFF8000  }
0x42: {  	[hbm4b:s13+s3] =	stream.linear.scatter [tilespmem:s15], [sflag:$0x2], $0x8000, $0x38;
	[tilespmem:$0x8080] =	vst v63  }
0x43: {  	s4 =	simm.s32 $0x40;
	_ =	swait.ge [sflag:s14], $0x8000  }
0x44: {  	s12 =	simm.s32 $0x80;
	s2 =	sadd.s32 $0x1000, s13;
	[sflag:s14] =	ssyncset.done $0x0  }
.LBB2_2:
0x45: {  	s0 =	sshra.s32 s4, $0x2;
	[sflag:s14] =	ssyncadd.s32 $0xFFFF8000  }
0x46: {  	v3 =	vld [tilespmem:s0+$0x0];
	_ =	sdelay $0x4  }
0x47: {  	v4 =	vshll.u32 v3, $0x4  }
0x48: {  	v3 =	vand.u32 $0x7, v3;
	v4 =	vand.u32 $0xFFFFFF80, v4  }
0x49: {  	v3 =	vor.u32 v3, v4  }
0x4a: {  	v4 =	vperm.xlane v3, v0;
	_ =	sdelay $0x1  }
0x4b: {  	v4 =	vadd.s32 v1, v4;
	_ =	sdelay $0x3  }
0x4c: {  	s4 =	smov.u32 s12  }
0x4d: {  	[tilespmem:s15], [sflag:$0x1] =	stream.indirect_vreg.gather [hbm4b:s1+s3], $0x80, v4, vm0, $0xb8;
	[tilespmem:$0x8080] =	vst v63  }
0x4e: {  	s13 =	sadd.s32 $0x40, s12;
	p0 =	sne.s32 s12, $0x1C0;
	s12 =	rddreg [dreg:$0x4]  }
0x4f: {  	[tilespmem:s12], [sflag:$0x1] =	stream.indirect_vreg.gather [hbm4b:s5+s3], $0x80, v4, vm0, $0xb8;
	[tilespmem:$0x8080] =	vst v63  }
0x50: {  	_ = 	snop  }
0x51: {  	[tilespmem:s16], [sflag:$0x1] =	stream.indirect_vreg.gather [hbm4b:s6+s3], $0x80, v4, vm0, $0xb8;
	[tilespmem:$0x8080] =	vst v63  }
0x52: {  	_ = 	snop  }
0x53: {  	[tilespmem:s17], [sflag:$0x1] =	stream.indirect_vreg.gather [hbm4b:s7+s3], $0x80, v4, vm0, $0xb8;
	[tilespmem:$0x8080] =	vst v63  }
0x54: {  	_ = 	snop  }
0x55: {  	[tilespmem:s18], [sflag:$0x1] =	stream.indirect_vreg.gather [hbm4b:s8+s3], $0x80, v4, vm0, $0xb8;
	[tilespmem:$0x8080] =	vst v63  }
0x56: {  	v3 =	vperm.xlane v3, v2  }
0x57: {  	[tilespmem:s19], [sflag:$0x1] =	stream.indirect_vreg.gather [hbm4b:s9+s3], $0x80, v4, vm0, $0xb8;
	[tilespmem:$0x8080] =	vst v63  }
0x58: {  	v3 =	vadd.s32 v1, v3  }
0x59: {  	[tilespmem:s20], [sflag:$0x1] =	stream.indirect_vreg.gather [hbm4b:s10+s3], $0x80, v4, vm0, $0xb8;
	[tilespmem:$0x8080] =	vst v63  }
0x5a: {  	_ = 	snop  }
0x5b: {  	[tilespmem:s21], [sflag:$0x1] =	stream.indirect_vreg.gather [hbm4b:s11+s3], $0x80, v4, vm0, $0xb8;
	[tilespmem:$0x8080] =	vst v63  }
0x5c: {  	_ = 	snop  }
0x5d: {  	[tilespmem:s22], [sflag:$0x1] =	stream.indirect_vreg.gather [hbm4b:s1+s3], $0x80, v3, vm0, $0xb8;
	[tilespmem:$0x8080] =	vst v63  }
0x5e: {  	_ = 	snop  }
0x5f: {  	[tilespmem:s23], [sflag:$0x1] =	stream.indirect_vreg.gather [hbm4b:s5+s3], $0x80, v3, vm0, $0xb8;
	[tilespmem:$0x8080] =	vst v63  }
0x60: {  	_ = 	snop  }
0x61: {  	[tilespmem:s24], [sflag:$0x1] =	stream.indirect_vreg.gather [hbm4b:s6+s3], $0x80, v3, vm0, $0xb8;
	[tilespmem:$0x8080] =	vst v63  }
0x62: {  	_ = 	snop  }
0x63: {  	[tilespmem:s25], [sflag:$0x1] =	stream.indirect_vreg.gather [hbm4b:s7+s3], $0x80, v3, vm0, $0xb8;
	[tilespmem:$0x8080] =	vst v63  }
0x64: {  	_ = 	snop  }
0x65: {  	[tilespmem:s26], [sflag:$0x1] =	stream.indirect_vreg.gather [hbm4b:s8+s3], $0x80, v3, vm0, $0xb8;
	[tilespmem:$0x8080] =	vst v63  }
0x66: {  	_ = 	snop  }
0x67: {  	[tilespmem:s28], [sflag:$0x1] =	stream.indirect_vreg.gather [hbm4b:s9+s3], $0x80, v3, vm0, $0xb8;
	[tilespmem:$0x8080] =	vst v63  }
0x68: {  	_ = 	snop  }
0x69: {  	[tilespmem:s29], [sflag:$0x1] =	stream.indirect_vreg.gather [hbm4b:s10+s3], $0x80, v3, vm0, $0xb8;
	[tilespmem:$0x8080] =	vst v63  }
0x6a: {  	_ = 	snop  }
0x6b: {  	[tilespmem:s30], [sflag:$0x1] =	stream.indirect_vreg.gather [hbm4b:s11+s3], $0x80, v3, vm0, $0xb8;
	[tilespmem:$0x8080] =	vst v63  }
0x6c: {  	_ =	swait.ge [sflag:s31], $0x8000  }
.Ltmp0:
0x6d: {  	[sflag:s31] =	ssyncset.done $0x0;
	(pc) =	sbr.rel @p0 .LBB2_2-.Ltmp0, $4  }
0x6e: {  	[sflag:s31] =	ssyncadd.s32 $0xFFFF8000  }
0x6f: {  	[hbm4b:s2+s3] =	stream.linear.scatter [tilespmem:s15], [sflag:$0x2], $0x8000, $0x38;
	[tilespmem:$0x8080] =	vst v63  }
0x70: {  	_ =	swait.ge [sflag:s14], $0x8000  }
0x71: {  	s12 =	smov.u32 s13;
	s2 =	sadd.s32 $0x1000, s2;
	[sflag:s14] =	ssyncset.done $0x0  }
0x72: {  	s0 =	sshra.s32 s4, $0x2;
	[sflag:s14] =	ssyncadd.s32 $0xFFFF8000  }
0x73: {  	v3 =	vld [tilespmem:s0+$0x0];
	_ =	sdelay $0x4  }
0x74: {  	v4 =	vshll.u32 v3, $0x4  }
0x75: {  	v3 =	vand.u32 $0x7, v3;
	v4 =	vand.u32 $0xFFFFFF80, v4  }
0x76: {  	v3 =	vor.u32 v3, v4  }
0x77: {  	v4 =	vperm.xlane v3, v0;
	_ =	sdelay $0x1  }
0x78: {  	v4 =	vadd.s32 v1, v4;
	_ =	sdelay $0x4  }
0x79: {  	[tilespmem:s15], [sflag:$0x1] =	stream.indirect_vreg.gather [hbm4b:s1+s3], $0x80, v4, vm0, $0xb8;
	[tilespmem:$0x8080] =	vst v63  }
0x7a: {  	s4 =	rddreg [dreg:$0x4]  }
0x7b: {  	[tilespmem:s4], [sflag:$0x1] =	stream.indirect_vreg.gather [hbm4b:s5+s3], $0x80, v4, vm0, $0xb8;
	[tilespmem:$0x8080] =	vst v63  }
0x7c: {  	_ = 	snop  }
0x7d: {  	[tilespmem:s16], [sflag:$0x1] =	stream.indirect_vreg.gather [hbm4b:s6+s3], $0x80, v4, vm0, $0xb8;
	[tilespmem:$0x8080] =	vst v63  }
0x7e: {  	_ = 	snop  }
0x7f: {  	[tilespmem:s17], [sflag:$0x1] =	stream.indirect_vreg.gather [hbm4b:s7+s3], $0x80, v4, vm0, $0xb8;
	[tilespmem:$0x8080] =	vst v63  }
0x80: {  	_ = 	snop  }
0x81: {  	[tilespmem:s18], [sflag:$0x1] =	stream.indirect_vreg.gather [hbm4b:s8+s3], $0x80, v4, vm0, $0xb8;
	[tilespmem:$0x8080] =	vst v63  }
0x82: {  	v3 =	vperm.xlane v3, v2  }
0x83: {  	[tilespmem:s19], [sflag:$0x1] =	stream.indirect_vreg.gather [hbm4b:s9+s3], $0x80, v4, vm0, $0xb8;
	[tilespmem:$0x8080] =	vst v63  }
0x84: {  	v3 =	vadd.s32 v1, v3  }
0x85: {  	[tilespmem:s20], [sflag:$0x1] =	stream.indirect_vreg.gather [hbm4b:s10+s3], $0x80, v4, vm0, $0xb8;
	[tilespmem:$0x8080] =	vst v63  }
0x86: {  	_ = 	snop  }
0x87: {  	[tilespmem:s21], [sflag:$0x1] =	stream.indirect_vreg.gather [hbm4b:s11+s3], $0x80, v4, vm0, $0xb8;
	[tilespmem:$0x8080] =	vst v63  }
0x88: {  	_ = 	snop  }
0x89: {  	[tilespmem:s22], [sflag:$0x1] =	stream.indirect_vreg.gather [hbm4b:s1+s3], $0x80, v3, vm0, $0xb8;
	[tilespmem:$0x8080] =	vst v63  }
0x8a: {  	_ = 	snop  }
0x8b: {  	[tilespmem:s23], [sflag:$0x1] =	stream.indirect_vreg.gather [hbm4b:s5+s3], $0x80, v3, vm0, $0xb8;
	[tilespmem:$0x8080] =	vst v63  }
0x8c: {  	_ = 	snop  }
0x8d: {  	[tilespmem:s24], [sflag:$0x1] =	stream.indirect_vreg.gather [hbm4b:s6+s3], $0x80, v3, vm0, $0xb8;
	[tilespmem:$0x8080] =	vst v63  }
0x8e: {  	_ = 	snop  }
0x8f: {  	[tilespmem:s25], [sflag:$0x1] =	stream.indirect_vreg.gather [hbm4b:s7+s3], $0x80, v3, vm0, $0xb8;
	[tilespmem:$0x8080] =	vst v63  }
0x90: {  	_ = 	snop  }
0x91: {  	[tilespmem:s26], [sflag:$0x1] =	stream.indirect_vreg.gather [hbm4b:s8+s3], $0x80, v3, vm0, $0xb8;
	[tilespmem:$0x8080] =	vst v63  }
0x92: {  	_ = 	snop  }
0x93: {  	[tilespmem:s28], [sflag:$0x1] =	stream.indirect_vreg.gather [hbm4b:s9+s3], $0x80, v3, vm0, $0xb8;
	[tilespmem:$0x8080] =	vst v63  }
0x94: {  	_ = 	snop  }
0x95: {  	[tilespmem:s29], [sflag:$0x1] =	stream.indirect_vreg.gather [hbm4b:s10+s3], $0x80, v3, vm0, $0xb8;
	[tilespmem:$0x8080] =	vst v63  }
0x96: {  	_ = 	snop  }
0x97: {  	[tilespmem:s30], [sflag:$0x1] =	stream.indirect_vreg.gather [hbm4b:s11+s3], $0x80, v3, vm0, $0xb8;
	[tilespmem:$0x8080] =	vst v63  }
0x98: {  	_ =	swait.ge [sflag:s31], $0x8000  }
0x99: {  	[sflag:s31] =	ssyncset.done $0x0  }
0x9a: {  	[sflag:s31] =	ssyncadd.s32 $0xFFFF8000  }
0x9b: {  	[hbm4b:s2+s3] =	stream.linear.scatter [tilespmem:s15], [sflag:$0x2], $0x8000, $0x38;
	[tilespmem:$0x8080] =	vst v63  }
0x9c: {  	_ =	swait.ge [sflag:s14], $0x8000  }
0x9d: {  	s12 =	rddreg [dreg:$0x8]  }
0x9e: {  	s13 =	rddreg [dreg:$0x6];
	s2 =	sadd.s32 $0x1, s12  }
0x9f: {  	p0 =	sne.s32 s2, s13  }
.Ltmp1:
0xa0: {  	_ = 	snop;
	(pc) =	sbr.rel @p0 .LBB2_1-.Ltmp1, $3  }
0xa1: {  	_ =	sdelay $0x1  }
0xa2: {  	[sflag:s14] =	ssyncset.done $0x0  }
0xa3: {  	[sflag:s14] =	ssyncadd.s32 $0xFFFF8000  }
0xa4: {  	_ =	sfence.sel $0x180000  }
0xa5: {  	[bflag:$0x0] =	sbarrier.arrive $0xFFFF  }
0xa6: {  	_ =	strace $0x90000047  }
0xa7: {  	s0 =	stileid.u32;
	[bflag:$0x2] =	sbarrier.arrive $0xFFFF  }
0xa8: {  	p0 =	sne.s32 s0, $0x0;
	s0 =	rddreg [dreg:$0x3]  }
0xa9: {  	s0 =	sadd.s32 @!p0 $0x100000, s0  }
0xaa: {  	[sflag:s0] =	ssyncadd.tile.s32 @!p0 $0x1;
	_ =	shalt  }
.Lfunc_end2:
_tile_overlayer_lowered:
.L_overlay_start_2:
0xab: {  	(tag) =	ssettag $0x2  }
0xac: {  	s0 =	rddreg [dreg:$0x0];
	s2 =	stileid.u32  }
0xad: {  	s1 =	rddreg [dreg:$0x1];
	p0 =	sne.s32 s2, $0x0  }
0xae: {  	s3 =	rddreg [dreg:$0x2];
	[bflag:$0x3] =	sbarrier.arrive $0xFFFF;
	s2 =	simm.s32 @!p0 $0x1C02  }
0xaf: {  	[timem:s3], [sflag:s2] =	dma.local @!p0 [hbm:s0], s1  }
0xb0: {  	s0 =	simm.s32 @!p0 $0x2  }
0xb1: {  	_ =	swait.ge @!p0 [sflag:s0], s1  }
0xb2: {  	s1 =	ssub.s32 @!p0 $0x0, s1;
	[sflag:s0] =	ssyncset.done @!p0 $0x0  }
0xb3: {  	[sflag:s0] =	ssyncadd.s32 @!p0 s1  }
0xb4: {  	[bflag:$0x3] =	sbarrier.arrive $0xFFFF  }
0xb5: {  	_ =	shalt  }

</sc_bundles>
